<compile_context>
chip_gen: v7x
topology: tpu7x:2x2x1
jax: 0.10.2.dev20260603
libtpu: 0.0.44.dev20260713+nightly
codegen_flags: <defaults>
</compile_context>

<pallas_src>
import functools
import jax
import jax.numpy as jnp
from jax import lax
from jax.experimental import pallas as pl
from jax.experimental.pallas import tpu as pltpu
from jax.experimental.pallas import tpu_sc as plsc

_TILE_ROWS = 16
_NBUF = 3


def kernel(x, P):
    B, W, D = x.shape
    info = plsc.get_sparse_core_info()
    NW = info.num_cores * info.num_subcores
    rows_per_w = W // NW
    p_elems = rows_per_w * D
    tile_elems = _TILE_ROWS * D
    n_tiles = rows_per_w // _TILE_ROWS
    total_tiles = B * n_tiles
    lanes = 16

    mesh = plsc.VectorSubcoreMesh(core_axis_name="c", subcore_axis_name="s")

    @functools.partial(
        pl.kernel,
        out_type=jax.ShapeDtypeStruct((B * W * D,), jnp.float32),
        mesh=mesh,
        scratch_types=[
            pltpu.VMEM((p_elems,), jnp.float32),
            [pltpu.VMEM((tile_elems,), jnp.float32)] * _NBUF,
            [pltpu.SemaphoreType.DMA] * _NBUF,
            [pltpu.SemaphoreType.DMA] * _NBUF,
        ],
    )
    def sc_add(x_hbm, p_hbm, o_hbm, p_v, bufs, sem_in, sem_out):
        wid = lax.axis_index("s") * info.num_cores + lax.axis_index("c")
        p_base = wid * p_elems
        pltpu.sync_copy(p_hbm.at[pl.ds(p_base, p_elems)], p_v)

        def off(k):
            b, t = divmod(k, n_tiles)
            return b * (W * D) + p_base + t * tile_elems

        def in_copy(k):
            return pltpu.make_async_copy(
                x_hbm.at[pl.ds(off(k), tile_elems)], bufs[k % _NBUF],
                sem_in[k % _NBUF],
            )

        def out_copy(k):
            return pltpu.make_async_copy(
                bufs[k % _NBUF], o_hbm.at[pl.ds(off(k), tile_elems)],
                sem_out[k % _NBUF],
            )

        for k in range(min(2, total_tiles)):
            in_copy(k).start()
        for k in range(total_tiles):
            i = k % _NBUF
            in_copy(k).wait()
            t = k % n_tiles

            @plsc.parallel_loop(0, tile_elems, lanes, unroll=16)
            def _(j):
                plsc.addupdate(
                    bufs[i].at[pl.ds(j, lanes)],
                    p_v[pl.ds(t * tile_elems + j, lanes)],
                )

            out_copy(k).start()
            if k + 2 < total_tiles:
                if k >= 1:
                    out_copy(k - 1).wait()
                in_copy(k + 2).start()
        for k in (total_tiles - 2, total_tiles - 1):
            out_copy(k).wait()

    out = sc_add(x.reshape(-1), P.reshape(-1))
    return out.reshape(B, W, D)

# --- scband reference (transcript-rebuilt; emitter-appended) ---
"""Pipeline reference for scband-positional-embedding-11330123727319 (READ-ONLY COPY).

The authoritative reference and input builder live on the scoring server;
editing this copy changes nothing except your own understanding.
"""

import jax, jax.numpy as jnp
import numpy as np

WINDOW_SIZE = 2048
EMBED_SIZE = 1024

def get_position_encoding(window_size, d, n=10000):
    # Vectorized but mathematically identical to the original double loop
    k = np.arange(window_size, dtype=np.float64)[:, None]            # [W, 1]
    i = np.arange(d // 2, dtype=np.float64)[None, :]                 # [1, d/2]
    denominator = np.power(float(n), 2.0 * i / d)                    # [1, d/2]
    P = np.zeros((window_size, d), dtype=np.float64)
    P[:, 0::2] = np.sin(k / denominator)
    P[:, 1::2] = np.cos(k / denominator)
    return P.astype(np.float32)

def setup_inputs(seed: int = 0) -> dict:
    key = jax.random.key(seed)
    x = jax.random.normal(key, (4, WINDOW_SIZE, EMBED_SIZE), dtype=jnp.float32)
    P = jnp.asarray(get_position_encoding(WINDOW_SIZE, EMBED_SIZE))  # frozen embedding table [W, D]
    return {"x": x, "P": P}

def reference(x, P):
    # call(): position_indices = range(window_size); out = x + Embedding(position_indices)
    position_indices = jnp.arange(0, WINDOW_SIZE, 1)
    pos_emb = jnp.take(P, position_indices, axis=0)                  # embedding lookup [W, D]
    return x + pos_emb[None, :, :]

if __name__ == "__main__":
    import jax
    _d = setup_inputs()
    print(jax.jit(kernel)(*tuple(_d.values())))

</pallas_src>

<mosaic_0001>
#map = affine_map<(d0, d1) -> (0)>
module attributes {stable_mosaic.version = 14 : i64} {
  func.func @sc_add(%arg0: i32, %arg1: i32, %arg2: memref<8388608xf32, #tpu.memory_space<hbm>>, %arg3: memref<2097152xf32, #tpu.memory_space<hbm>>, %arg4: memref<8388608xf32, #tpu.memory_space<hbm>>, %arg5: memref<65536xf32, #tpu.memory_space<vmem>>, %arg6: memref<16384xf32, #tpu.memory_space<vmem>>, %arg7: memref<16384xf32, #tpu.memory_space<vmem>>, %arg8: memref<16384xf32, #tpu.memory_space<vmem>>, %arg9: memref<!tpu.dma_semaphore, #tpu.memory_space<semaphore_mem>>, %arg10: memref<!tpu.dma_semaphore, #tpu.memory_space<semaphore_mem>>, %arg11: memref<!tpu.dma_semaphore, #tpu.memory_space<semaphore_mem>>, %arg12: memref<!tpu.dma_semaphore, #tpu.memory_space<semaphore_mem>>, %arg13: memref<!tpu.dma_semaphore, #tpu.memory_space<semaphore_mem>>, %arg14: memref<!tpu.dma_semaphore, #tpu.memory_space<semaphore_mem>>) attributes {dimension_semantics = [#tpu.dimension_semantics<core_parallel>, #tpu.dimension_semantics<subcore_parallel>], iteration_bounds = array<i64: 2, 16>, scalar_prefetch = 0 : i64, scratch_operands = 10 : i64, tpu.core_type = #tpu.core_type<sc_vector_subcore>, window_params = [{transform_indices = #map}, {transform_indices = #map}, {transform_indices = #map}]} {
    %mul3A = arith.constant 2 : i32
    %mul3A_0 = arith.muli %arg1, %mul3A : i32
    %add3A = arith.addi %mul3A_0, %arg0 : i32
    %mul3A_1 = arith.constant 65536 : i32
    %mul3A_2 = arith.muli %add3A, %mul3A_1 : i32
    "tpu.region"() ({
      %run_scoped3A = tpu.sem_alloc : memref<!tpu.dma_semaphore, #tpu.memory_space<semaphore_mem>>
      %dma_start3A_426 = tpu.memref_slice %arg3[%mul3A_2] : memref<2097152xf32, #tpu.memory_space<hbm>> -> memref<65536xf32, #tpu.memory_space<hbm>>
      %dma_start3A_427 = tpu.memref_slice %arg3[%mul3A_2] : memref<2097152xf32, #tpu.memory_space<hbm>> -> memref<65536xf32, #tpu.memory_space<hbm>>
      tpu.enqueue_dma source(%dma_start3A_427 : memref<65536xf32, #tpu.memory_space<hbm>>) target(%arg5 : memref<65536xf32, #tpu.memory_space<vmem>>) target_semaphore(%run_scoped3A : memref<!tpu.dma_semaphore, #tpu.memory_space<semaphore_mem>>)
      %dma_wait3A_428 = tpu.memref_slice %arg3[%mul3A_2] : memref<2097152xf32, #tpu.memory_space<hbm>> -> memref<65536xf32, #tpu.memory_space<hbm>>
      %dma_wait3A_429 = tpu.memref_slice %arg3[%mul3A_2] : memref<2097152xf32, #tpu.memory_space<hbm>> -> memref<65536xf32, #tpu.memory_space<hbm>>
      tpu.wait_dma2 semaphore(%run_scoped3A : memref<!tpu.dma_semaphore, #tpu.memory_space<semaphore_mem>>) src(%dma_wait3A_429 : memref<65536xf32, #tpu.memory_space<hbm>>) dst(%arg5 : memref<65536xf32, #tpu.memory_space<vmem>>)
      tpu.yield
    }) : () -> ()
    %add3A_3 = arith.constant 0 : i32
    %add3A_4 = arith.addi %add3A_3, %mul3A_2 : i32
    %add3A_5 = arith.constant 0 : i32
    %add3A_6 = arith.addi %add3A_4, %add3A_5 : i32
    %dma_start3A = tpu.memref_slice %arg2[%add3A_6] : memref<8388608xf32, #tpu.memory_space<hbm>> -> memref<16384xf32, #tpu.memory_space<hbm>>
    %dma_start3A_7 = tpu.memref_slice %arg2[%add3A_6] : memref<8388608xf32, #tpu.memory_space<hbm>> -> memref<16384xf32, #tpu.memory_space<hbm>>
    tpu.enqueue_dma source(%dma_start3A_7 : memref<16384xf32, #tpu.memory_space<hbm>>) target(%arg6 : memref<16384xf32, #tpu.memory_space<vmem>>) target_semaphore(%arg9 : memref<!tpu.dma_semaphore, #tpu.memory_space<semaphore_mem>>)
    %add3A_8 = arith.constant 0 : i32
    %add3A_9 = arith.addi %add3A_8, %mul3A_2 : i32
    %add3A_10 = arith.constant 16384 : i32
    %add3A_11 = arith.addi %add3A_9, %add3A_10 : i32
    %dma_start3A_12 = tpu.memref_slice %arg2[%add3A_11] : memref<8388608xf32, #tpu.memory_space<hbm>> -> memref<16384xf32, #tpu.memory_space<hbm>>
    %dma_start3A_13 = tpu.memref_slice %arg2[%add3A_11] : memref<8388608xf32, #tpu.memory_space<hbm>> -> memref<16384xf32, #tpu.memory_space<hbm>>
    tpu.enqueue_dma source(%dma_start3A_13 : memref<16384xf32, #tpu.memory_space<hbm>>) target(%arg7 : memref<16384xf32, #tpu.memory_space<vmem>>) target_semaphore(%arg10 : memref<!tpu.dma_semaphore, #tpu.memory_space<semaphore_mem>>)
    %add3A_14 = arith.constant 0 : i32
    %add3A_15 = arith.addi %add3A_14, %mul3A_2 : i32
    %add3A_16 = arith.constant 0 : i32
    %add3A_17 = arith.addi %add3A_15, %add3A_16 : i32
    %dma_wait3A = tpu.memref_slice %arg2[%add3A_17] : memref<8388608xf32, #tpu.memory_space<hbm>> -> memref<16384xf32, #tpu.memory_space<hbm>>
    %dma_wait3A_18 = tpu.memref_slice %arg2[%add3A_17] : memref<8388608xf32, #tpu.memory_space<hbm>> -> memref<16384xf32, #tpu.memory_space<hbm>>
    tpu.wait_dma2 semaphore(%arg9 : memref<!tpu.dma_semaphore, #tpu.memory_space<semaphore_mem>>) src(%dma_wait3A_18 : memref<16384xf32, #tpu.memory_space<hbm>>) dst(%arg6 : memref<16384xf32, #tpu.memory_space<vmem>>)
    %parallel_loop3A = arith.constant 0 : i32
    %parallel_loop3A_19 = arith.constant 16384 : i32
    %parallel_loop3A_20 = arith.constant 16 : i32
    scf.for %parallel_loop3A_426 = %parallel_loop3A to %parallel_loop3A_19 step %parallel_loop3A_20  : i32 {
      %parallel_loop3A_427 = arith.constant 0 : i32
      %parallel_loop3A_428 = arith.addi %parallel_loop3A_427, %parallel_loop3A_426 : i32
      %parallel_loop3A_429 = arith.index_cast %parallel_loop3A_428 : i32 to index
      %parallel_loop3A_430 = tpu.vector_load %arg5[%parallel_loop3A_429] {strides = array<i32>} : memref<65536xf32, #tpu.memory_space<vmem>>, vector<16xf32>,
      %parallel_loop3A_431 = vector.shape_cast %parallel_loop3A_430 : vector<16xf32> to vector<16xf32>
      %parallel_loop3A_432 = arith.index_cast %parallel_loop3A_426 : i32 to index
      %parallel_loop3A_433 = tpu.vector_load %arg6[%parallel_loop3A_432] {strides = array<i32>} : memref<16384xf32, #tpu.memory_space<vmem>>, vector<16xf32>,
      %parallel_loop3A_434 = vector.shape_cast %parallel_loop3A_433 : vector<16xf32> to vector<16xf32>
      %parallel_loop3A_435 = vector.shape_cast %parallel_loop3A_431 : vector<16xf32> to vector<16xf32>
      tpu.vector_store %arg6[%parallel_loop3A_432], %parallel_loop3A_435 {add = true, strides = array<i32>} : memref<16384xf32, #tpu.memory_space<vmem>>, vector<16xf32>,
    } {sc.loop_unroll_factor = 16 : i64, sc.parallel_access}
    %add3A_21 = arith.constant 0 : i32
    %add3A_22 = arith.addi %add3A_21, %mul3A_2 : i32
    %add3A_23 = arith.constant 0 : i32
    %add3A_24 = arith.addi %add3A_22, %add3A_23 : i32
    %dma_start3A_25 = tpu.memref_slice %arg4[%add3A_24] : memref<8388608xf32, #tpu.memory_space<hbm>> -> memref<16384xf32, #tpu.memory_space<hbm>>
    %dma_start3A_26 = tpu.memref_slice %arg4[%add3A_24] : memref<8388608xf32, #tpu.memory_space<hbm>> -> memref<16384xf32, #tpu.memory_space<hbm>>
    tpu.enqueue_dma source(%arg6 : memref<16384xf32, #tpu.memory_space<vmem>>) target(%dma_start3A_26 : memref<16384xf32, #tpu.memory_space<hbm>>) target_semaphore(%arg12 : memref<!tpu.dma_semaphore, #tpu.memory_space<semaphore_mem>>)
    %add3A_27 = arith.constant 0 : i32
    %add3A_28 = arith.addi %add3A_27, %mul3A_2 : i32
    %add3A_29 = arith.constant 32768 : i32
    %add3A_30 = arith.addi %add3A_28, %add3A_29 : i32
    %dma_start3A_31 = tpu.memref_slice %arg2[%add3A_30] : memref<8388608xf32, #tpu.memory_space<hbm>> -> memref<16384xf32, #tpu.memory_space<hbm>>
    %dma_start3A_32 = tpu.memref_slice %arg2[%add3A_30] : memref<8388608xf32, #tpu.memory_space<hbm>> -> memref<16384xf32, #tpu.memory_space<hbm>>
    tpu.enqueue_dma source(%dma_start3A_32 : memref<16384xf32, #tpu.memory_space<hbm>>) target(%arg8 : memref<16384xf32, #tpu.memory_space<vmem>>) target_semaphore(%arg11 : memref<!tpu.dma_semaphore, #tpu.memory_space<semaphore_mem>>)
    %add3A_33 = arith.constant 0 : i32
    %add3A_34 = arith.addi %add3A_33, %mul3A_2 : i32
    %add3A_35 = arith.constant 16384 : i32
    %add3A_36 = arith.addi %add3A_34, %add3A_35 : i32
    %dma_wait3A_37 = tpu.memref_slice %arg2[%add3A_36] : memref<8388608xf32, #tpu.memory_space<hbm>> -> memref<16384xf32, #tpu.memory_space<hbm>>
    %dma_wait3A_38 = tpu.memref_slice %arg2[%add3A_36] : memref<8388608xf32, #tpu.memory_space<hbm>> -> memref<16384xf32, #tpu.memory_space<hbm>>
    tpu.wait_dma2 semaphore(%arg10 : memref<!tpu.dma_semaphore, #tpu.memory_space<semaphore_mem>>) src(%dma_wait3A_38 : memref<16384xf32, #tpu.memory_space<hbm>>) dst(%arg7 : memref<16384xf32, #tpu.memory_space<vmem>>)
    %parallel_loop3A_39 = arith.constant 0 : i32
    %parallel_loop3A_40 = arith.constant 16384 : i32
    %parallel_loop3A_41 = arith.constant 16 : i32
    scf.for %parallel_loop3A_426 = %parallel_loop3A_39 to %parallel_loop3A_40 step %parallel_loop3A_41  : i32 {
      %parallel_loop3A_427 = arith.constant 16384 : i32
      %parallel_loop3A_428 = arith.addi %parallel_loop3A_427, %parallel_loop3A_426 : i32
      %parallel_loop3A_429 = arith.index_cast %parallel_loop3A_428 : i32 to index
      %parallel_loop3A_430 = tpu.vector_load %arg5[%parallel_loop3A_429] {strides = array<i32>} : memref<65536xf32, #tpu.memory_space<vmem>>, vector<16xf32>,
      %parallel_loop3A_431 = vector.shape_cast %parallel_loop3A_430 : vector<16xf32> to vector<16xf32>
      %parallel_loop3A_432 = arith.index_cast %parallel_loop3A_426 : i32 to index
      %parallel_loop3A_433 = tpu.vector_load %arg7[%parallel_loop3A_432] {strides = array<i32>} : memref<16384xf32, #tpu.memory_space<vmem>>, vector<16xf32>,
      %parallel_loop3A_434 = vector.shape_cast %parallel_loop3A_433 : vector<16xf32> to vector<16xf32>
      %parallel_loop3A_435 = vector.shape_cast %parallel_loop3A_431 : vector<16xf32> to vector<16xf32>
      tpu.vector_store %arg7[%parallel_loop3A_432], %parallel_loop3A_435 {add = true, strides = array<i32>} : memref<16384xf32, #tpu.memory_space<vmem>>, vector<16xf32>,
    } {sc.loop_unroll_factor = 16 : i64, sc.parallel_access}
    %add3A_42 = arith.constant 0 : i32
    %add3A_43 = arith.addi %add3A_42, %mul3A_2 : i32
    %add3A_44 = arith.constant 16384 : i32
    %add3A_45 = arith.addi %add3A_43, %add3A_44 : i32
    %dma_start3A_46 = tpu.memref_slice %arg4[%add3A_45] : memref<8388608xf32, #tpu.memory_space<hbm>> -> memref<16384xf32, #tpu.memory_space<hbm>>
    %dma_start3A_47 = tpu.memref_slice %arg4[%add3A_45] : memref<8388608xf32, #tpu.memory_space<hbm>> -> memref<16384xf32, #tpu.memory_space<hbm>>
    tpu.enqueue_dma source(%arg7 : memref<16384xf32, #tpu.memory_space<vmem>>) target(%dma_start3A_47 : memref<16384xf32, #tpu.memory_space<hbm>>) target_semaphore(%arg13 : memref<!tpu.dma_semaphore, #tpu.memory_space<semaphore_mem>>)
    %add3A_48 = arith.constant 0 : i32
    %add3A_49 = arith.addi %add3A_48, %mul3A_2 : i32
    %add3A_50 = arith.constant 0 : i32
    %add3A_51 = arith.addi %add3A_49, %add3A_50 : i32
    %dma_wait3A_52 = tpu.memref_slice %arg4[%add3A_51] : memref<8388608xf32, #tpu.memory_space<hbm>> -> memref<16384xf32, #tpu.memory_space<hbm>>
    %dma_wait3A_53 = tpu.memref_slice %arg4[%add3A_51] : memref<8388608xf32, #tpu.memory_space<hbm>> -> memref<16384xf32, #tpu.memory_space<hbm>>
    tpu.wait_dma2 semaphore(%arg12 : memref<!tpu.dma_semaphore, #tpu.memory_space<semaphore_mem>>) src(%arg6 : memref<16384xf32, #tpu.memory_space<vmem>>) dst(%dma_wait3A_53 : memref<16384xf32, #tpu.memory_space<hbm>>)
    %add3A_54 = arith.constant 0 : i32
    %add3A_55 = arith.addi %add3A_54, %mul3A_2 : i32
    %add3A_56 = arith.constant 49152 : i32
    %add3A_57 = arith.addi %add3A_55, %add3A_56 : i32
    %dma_start3A_58 = tpu.memref_slice %arg2[%add3A_57] : memref<8388608xf32, #tpu.memory_space<hbm>> -> memref<16384xf32, #tpu.memory_space<hbm>>
    %dma_start3A_59 = tpu.memref_slice %arg2[%add3A_57] : memref<8388608xf32, #tpu.memory_space<hbm>> -> memref<16384xf32, #tpu.memory_space<hbm>>
    tpu.enqueue_dma source(%dma_start3A_59 : memref<16384xf32, #tpu.memory_space<hbm>>) target(%arg6 : memref<16384xf32, #tpu.memory_space<vmem>>) target_semaphore(%arg9 : memref<!tpu.dma_semaphore, #tpu.memory_space<semaphore_mem>>)
    %add3A_60 = arith.constant 0 : i32
    %add3A_61 = arith.addi %add3A_60, %mul3A_2 : i32
    %add3A_62 = arith.constant 32768 : i32
    %add3A_63 = arith.addi %add3A_61, %add3A_62 : i32
    %dma_wait3A_64 = tpu.memref_slice %arg2[%add3A_63] : memref<8388608xf32, #tpu.memory_space<hbm>> -> memref<16384xf32, #tpu.memory_space<hbm>>
    %dma_wait3A_65 = tpu.memref_slice %arg2[%add3A_63] : memref<8388608xf32, #tpu.memory_space<hbm>> -> memref<16384xf32, #tpu.memory_space<hbm>>
    tpu.wait_dma2 semaphore(%arg11 : memref<!tpu.dma_semaphore, #tpu.memory_space<semaphore_mem>>) src(%dma_wait3A_65 : memref<16384xf32, #tpu.memory_space<hbm>>) dst(%arg8 : memref<16384xf32, #tpu.memory_space<vmem>>)
    %parallel_loop3A_66 = arith.constant 0 : i32
    %parallel_loop3A_67 = arith.constant 16384 : i32
    %parallel_loop3A_68 = arith.constant 16 : i32
    scf.for %parallel_loop3A_426 = %parallel_loop3A_66 to %parallel_loop3A_67 step %parallel_loop3A_68  : i32 {
      %parallel_loop3A_427 = arith.constant 32768 : i32
      %parallel_loop3A_428 = arith.addi %parallel_loop3A_427, %parallel_loop3A_426 : i32
      %parallel_loop3A_429 = arith.index_cast %parallel_loop3A_428 : i32 to index
      %parallel_loop3A_430 = tpu.vector_load %arg5[%parallel_loop3A_429] {strides = array<i32>} : memref<65536xf32, #tpu.memory_space<vmem>>, vector<16xf32>,
      %parallel_loop3A_431 = vector.shape_cast %parallel_loop3A_430 : vector<16xf32> to vector<16xf32>
      %parallel_loop3A_432 = arith.index_cast %parallel_loop3A_426 : i32 to index
      %parallel_loop3A_433 = tpu.vector_load %arg8[%parallel_loop3A_432] {strides = array<i32>} : memref<16384xf32, #tpu.memory_space<vmem>>, vector<16xf32>,
      %parallel_loop3A_434 = vector.shape_cast %parallel_loop3A_433 : vector<16xf32> to vector<16xf32>
      %parallel_loop3A_435 = vector.shape_cast %parallel_loop3A_431 : vector<16xf32> to vector<16xf32>
      tpu.vector_store %arg8[%parallel_loop3A_432], %parallel_loop3A_435 {add = true, strides = array<i32>} : memref<16384xf32, #tpu.memory_space<vmem>>, vector<16xf32>,
    } {sc.loop_unroll_factor = 16 : i64, sc.parallel_access}
    %add3A_69 = arith.constant 0 : i32
    %add3A_70 = arith.addi %add3A_69, %mul3A_2 : i32
    %add3A_71 = arith.constant 32768 : i32
    %add3A_72 = arith.addi %add3A_70, %add3A_71 : i32
    %dma_start3A_73 = tpu.memref_slice %arg4[%add3A_72] : memref<8388608xf32, #tpu.memory_space<hbm>> -> memref<16384xf32, #tpu.memory_space<hbm>>
    %dma_start3A_74 = tpu.memref_slice %arg4[%add3A_72] : memref<8388608xf32, #tpu.memory_space<hbm>> -> memref<16384xf32, #tpu.memory_space<hbm>>
    tpu.enqueue_dma source(%arg8 : memref<16384xf32, #tpu.memory_space<vmem>>) target(%dma_start3A_74 : memref<16384xf32, #tpu.memory_space<hbm>>) target_semaphore(%arg14 : memref<!tpu.dma_semaphore, #tpu.memory_space<semaphore_mem>>)
    %add3A_75 = arith.constant 0 : i32
    %add3A_76 = arith.addi %add3A_75, %mul3A_2 : i32
    %add3A_77 = arith.constant 16384 : i32
    %add3A_78 = arith.addi %add3A_76, %add3A_77 : i32
    %dma_wait3A_79 = tpu.memref_slice %arg4[%add3A_78] : memref<8388608xf32, #tpu.memory_space<hbm>> -> memref<16384xf32, #tpu.memory_space<hbm>>
    %dma_wait3A_80 = tpu.memref_slice %arg4[%add3A_78] : memref<8388608xf32, #tpu.memory_space<hbm>> -> memref<16384xf32, #tpu.memory_space<hbm>>
    tpu.wait_dma2 semaphore(%arg13 : memref<!tpu.dma_semaphore, #tpu.memory_space<semaphore_mem>>) src(%arg7 : memref<16384xf32, #tpu.memory_space<vmem>>) dst(%dma_wait3A_80 : memref<16384xf32, #tpu.memory_space<hbm>>)
    %add3A_81 = arith.constant 2097152 : i32
    %add3A_82 = arith.addi %add3A_81, %mul3A_2 : i32
    %add3A_83 = arith.constant 0 : i32
    %add3A_84 = arith.addi %add3A_82, %add3A_83 : i32
    %dma_start3A_85 = tpu.memref_slice %arg2[%add3A_84] : memref<8388608xf32, #tpu.memory_space<hbm>> -> memref<16384xf32, #tpu.memory_space<hbm>>
    %dma_start3A_86 = tpu.memref_slice %arg2[%add3A_84] : memref<8388608xf32, #tpu.memory_space<hbm>> -> memref<16384xf32, #tpu.memory_space<hbm>>
    tpu.enqueue_dma source(%dma_start3A_86 : memref<16384xf32, #tpu.memory_space<hbm>>) target(%arg7 : memref<16384xf32, #tpu.memory_space<vmem>>) target_semaphore(%arg10 : memref<!tpu.dma_semaphore, #tpu.memory_space<semaphore_mem>>)
    %add3A_87 = arith.constant 0 : i32
    %add3A_88 = arith.addi %add3A_87, %mul3A_2 : i32
    %add3A_89 = arith.constant 49152 : i32
    %add3A_90 = arith.addi %add3A_88, %add3A_89 : i32
    %dma_wait3A_91 = tpu.memref_slice %arg2[%add3A_90] : memref<8388608xf32, #tpu.memory_space<hbm>> -> memref<16384xf32, #tpu.memory_space<hbm>>
    %dma_wait3A_92 = tpu.memref_slice %arg2[%add3A_90] : memref<8388608xf32, #tpu.memory_space<hbm>> -> memref<16384xf32, #tpu.memory_space<hbm>>
    tpu.wait_dma2 semaphore(%arg9 : memref<!tpu.dma_semaphore, #tpu.memory_space<semaphore_mem>>) src(%dma_wait3A_92 : memref<16384xf32, #tpu.memory_space<hbm>>) dst(%arg6 : memref<16384xf32, #tpu.memory_space<vmem>>)
    %parallel_loop3A_93 = arith.constant 0 : i32
    %parallel_loop3A_94 = arith.constant 16384 : i32
    %parallel_loop3A_95 = arith.constant 16 : i32
    scf.for %parallel_loop3A_426 = %parallel_loop3A_93 to %parallel_loop3A_94 step %parallel_loop3A_95  : i32 {
      %parallel_loop3A_427 = arith.constant 49152 : i32
      %parallel_loop3A_428 = arith.addi %parallel_loop3A_427, %parallel_loop3A_426 : i32
      %parallel_loop3A_429 = arith.index_cast %parallel_loop3A_428 : i32 to index
      %parallel_loop3A_430 = tpu.vector_load %arg5[%parallel_loop3A_429] {strides = array<i32>} : memref<65536xf32, #tpu.memory_space<vmem>>, vector<16xf32>,
      %parallel_loop3A_431 = vector.shape_cast %parallel_loop3A_430 : vector<16xf32> to vector<16xf32>
      %parallel_loop3A_432 = arith.index_cast %parallel_loop3A_426 : i32 to index
      %parallel_loop3A_433 = tpu.vector_load %arg6[%parallel_loop3A_432] {strides = array<i32>} : memref<16384xf32, #tpu.memory_space<vmem>>, vector<16xf32>,
      %parallel_loop3A_434 = vector.shape_cast %parallel_loop3A_433 : vector<16xf32> to vector<16xf32>
      %parallel_loop3A_435 = vector.shape_cast %parallel_loop3A_431 : vector<16xf32> to vector<16xf32>
      tpu.vector_store %arg6[%parallel_loop3A_432], %parallel_loop3A_435 {add = true, strides = array<i32>} : memref<16384xf32, #tpu.memory_space<vmem>>, vector<16xf32>,
    } {sc.loop_unroll_factor = 16 : i64, sc.parallel_access}
    %add3A_96 = arith.constant 0 : i32
    %add3A_97 = arith.addi %add3A_96, %mul3A_2 : i32
    %add3A_98 = arith.constant 49152 : i32
    %add3A_99 = arith.addi %add3A_97, %add3A_98 : i32
    %dma_start3A_100 = tpu.memref_slice %arg4[%add3A_99] : memref<8388608xf32, #tpu.memory_space<hbm>> -> memref<16384xf32, #tpu.memory_space<hbm>>
    %dma_start3A_101 = tpu.memref_slice %arg4[%add3A_99] : memref<8388608xf32, #tpu.memory_space<hbm>> -> memref<16384xf32, #tpu.memory_space<hbm>>
    tpu.enqueue_dma source(%arg6 : memref<16384xf32, #tpu.memory_space<vmem>>) target(%dma_start3A_101 : memref<16384xf32, #tpu.memory_space<hbm>>) target_semaphore(%arg12 : memref<!tpu.dma_semaphore, #tpu.memory_space<semaphore_mem>>)
    %add3A_102 = arith.constant 0 : i32
    %add3A_103 = arith.addi %add3A_102, %mul3A_2 : i32
    %add3A_104 = arith.constant 32768 : i32
    %add3A_105 = arith.addi %add3A_103, %add3A_104 : i32
    %dma_wait3A_106 = tpu.memref_slice %arg4[%add3A_105] : memref<8388608xf32, #tpu.memory_space<hbm>> -> memref<16384xf32, #tpu.memory_space<hbm>>
    %dma_wait3A_107 = tpu.memref_slice %arg4[%add3A_105] : memref<8388608xf32, #tpu.memory_space<hbm>> -> memref<16384xf32, #tpu.memory_space<hbm>>
    tpu.wait_dma2 semaphore(%arg14 : memref<!tpu.dma_semaphore, #tpu.memory_space<semaphore_mem>>) src(%arg8 : memref<16384xf32, #tpu.memory_space<vmem>>) dst(%dma_wait3A_107 : memref<16384xf32, #tpu.memory_space<hbm>>)
    %add3A_108 = arith.constant 2097152 : i32
    %add3A_109 = arith.addi %add3A_108, %mul3A_2 : i32
    %add3A_110 = arith.constant 16384 : i32
    %add3A_111 = arith.addi %add3A_109, %add3A_110 : i32
    %dma_start3A_112 = tpu.memref_slice %arg2[%add3A_111] : memref<8388608xf32, #tpu.memory_space<hbm>> -> memref<16384xf32, #tpu.memory_space<hbm>>
    %dma_start3A_113 = tpu.memref_slice %arg2[%add3A_111] : memref<8388608xf32, #tpu.memory_space<hbm>> -> memref<16384xf32, #tpu.memory_space<hbm>>
    tpu.enqueue_dma source(%dma_start3A_113 : memref<16384xf32, #tpu.memory_space<hbm>>) target(%arg8 : memref<16384xf32, #tpu.memory_space<vmem>>) target_semaphore(%arg11 : memref<!tpu.dma_semaphore, #tpu.memory_space<semaphore_mem>>)
    %add3A_114 = arith.constant 2097152 : i32
    %add3A_115 = arith.addi %add3A_114, %mul3A_2 : i32
    %add3A_116 = arith.constant 0 : i32
    %add3A_117 = arith.addi %add3A_115, %add3A_116 : i32
    %dma_wait3A_118 = tpu.memref_slice %arg2[%add3A_117] : memref<8388608xf32, #tpu.memory_space<hbm>> -> memref<16384xf32, #tpu.memory_space<hbm>>
    %dma_wait3A_119 = tpu.memref_slice %arg2[%add3A_117] : memref<8388608xf32, #tpu.memory_space<hbm>> -> memref<16384xf32, #tpu.memory_space<hbm>>
    tpu.wait_dma2 semaphore(%arg10 : memref<!tpu.dma_semaphore, #tpu.memory_space<semaphore_mem>>) src(%dma_wait3A_119 : memref<16384xf32, #tpu.memory_space<hbm>>) dst(%arg7 : memref<16384xf32, #tpu.memory_space<vmem>>)
    %parallel_loop3A_120 = arith.constant 0 : i32
    %parallel_loop3A_121 = arith.constant 16384 : i32
    %parallel_loop3A_122 = arith.constant 16 : i32
    scf.for %parallel_loop3A_426 = %parallel_loop3A_120 to %parallel_loop3A_121 step %parallel_loop3A_122  : i32 {
      %parallel_loop3A_427 = arith.constant 0 : i32
      %parallel_loop3A_428 = arith.addi %parallel_loop3A_427, %parallel_loop3A_426 : i32
      %parallel_loop3A_429 = arith.index_cast %parallel_loop3A_428 : i32 to index
      %parallel_loop3A_430 = tpu.vector_load %arg5[%parallel_loop3A_429] {strides = array<i32>} : memref<65536xf32, #tpu.memory_space<vmem>>, vector<16xf32>,
      %parallel_loop3A_431 = vector.shape_cast %parallel_loop3A_430 : vector<16xf32> to vector<16xf32>
      %parallel_loop3A_432 = arith.index_cast %parallel_loop3A_426 : i32 to index
      %parallel_loop3A_433 = tpu.vector_load %arg7[%parallel_loop3A_432] {strides = array<i32>} : memref<16384xf32, #tpu.memory_space<vmem>>, vector<16xf32>,
      %parallel_loop3A_434 = vector.shape_cast %parallel_loop3A_433 : vector<16xf32> to vector<16xf32>
      %parallel_loop3A_435 = vector.shape_cast %parallel_loop3A_431 : vector<16xf32> to vector<16xf32>
      tpu.vector_store %arg7[%parallel_loop3A_432], %parallel_loop3A_435 {add = true, strides = array<i32>} : memref<16384xf32, #tpu.memory_space<vmem>>, vector<16xf32>,
    } {sc.loop_unroll_factor = 16 : i64, sc.parallel_access}
    %add3A_123 = arith.constant 2097152 : i32
    %add3A_124 = arith.addi %add3A_123, %mul3A_2 : i32
    %add3A_125 = arith.constant 0 : i32
    %add3A_126 = arith.addi %add3A_124, %add3A_125 : i32
    %dma_start3A_127 = tpu.memref_slice %arg4[%add3A_126] : memref<8388608xf32, #tpu.memory_space<hbm>> -> memref<16384xf32, #tpu.memory_space<hbm>>
    %dma_start3A_128 = tpu.memref_slice %arg4[%add3A_126] : memref<8388608xf32, #tpu.memory_space<hbm>> -> memref<16384xf32, #tpu.memory_space<hbm>>
    tpu.enqueue_dma source(%arg7 : memref<16384xf32, #tpu.memory_space<vmem>>) target(%dma_start3A_128 : memref<16384xf32, #tpu.memory_space<hbm>>) target_semaphore(%arg13 : memref<!tpu.dma_semaphore, #tpu.memory_space<semaphore_mem>>)
    %add3A_129 = arith.constant 0 : i32
    %add3A_130 = arith.addi %add3A_129, %mul3A_2 : i32
    %add3A_131 = arith.constant 49152 : i32
    %add3A_132 = arith.addi %add3A_130, %add3A_131 : i32
    %dma_wait3A_133 = tpu.memref_slice %arg4[%add3A_132] : memref<8388608xf32, #tpu.memory_space<hbm>> -> memref<16384xf32, #tpu.memory_space<hbm>>
    %dma_wait3A_134 = tpu.memref_slice %arg4[%add3A_132] : memref<8388608xf32, #tpu.memory_space<hbm>> -> memref<16384xf32, #tpu.memory_space<hbm>>
    tpu.wait_dma2 semaphore(%arg12 : memref<!tpu.dma_semaphore, #tpu.memory_space<semaphore_mem>>) src(%arg6 : memref<16384xf32, #tpu.memory_space<vmem>>) dst(%dma_wait3A_134 : memref<16384xf32, #tpu.memory_space<hbm>>)
    %add3A_135 = arith.constant 2097152 : i32
    %add3A_136 = arith.addi %add3A_135, %mul3A_2 : i32
    %add3A_137 = arith.constant 32768 : i32
    %add3A_138 = arith.addi %add3A_136, %add3A_137 : i32
    %dma_start3A_139 = tpu.memref_slice %arg2[%add3A_138] : memref<8388608xf32, #tpu.memory_space<hbm>> -> memref<16384xf32, #tpu.memory_space<hbm>>
    %dma_start3A_140 = tpu.memref_slice %arg2[%add3A_138] : memref<8388608xf32, #tpu.memory_space<hbm>> -> memref<16384xf32, #tpu.memory_space<hbm>>
    tpu.enqueue_dma source(%dma_start3A_140 : memref<16384xf32, #tpu.memory_space<hbm>>) target(%arg6 : memref<16384xf32, #tpu.memory_space<vmem>>) target_semaphore(%arg9 : memref<!tpu.dma_semaphore, #tpu.memory_space<semaphore_mem>>)
    %add3A_141 = arith.constant 2097152 : i32
    %add3A_142 = arith.addi %add3A_141, %mul3A_2 : i32
    %add3A_143 = arith.constant 16384 : i32
    %add3A_144 = arith.addi %add3A_142, %add3A_143 : i32
    %dma_wait3A_145 = tpu.memref_slice %arg2[%add3A_144] : memref<8388608xf32, #tpu.memory_space<hbm>> -> memref<16384xf32, #tpu.memory_space<hbm>>
    %dma_wait3A_146 = tpu.memref_slice %arg2[%add3A_144] : memref<8388608xf32, #tpu.memory_space<hbm>> -> memref<16384xf32, #tpu.memory_space<hbm>>
    tpu.wait_dma2 semaphore(%arg11 : memref<!tpu.dma_semaphore, #tpu.memory_space<semaphore_mem>>) src(%dma_wait3A_146 : memref<16384xf32, #tpu.memory_space<hbm>>) dst(%arg8 : memref<16384xf32, #tpu.memory_space<vmem>>)
    %parallel_loop3A_147 = arith.constant 0 : i32
    %parallel_loop3A_148 = arith.constant 16384 : i32
    %parallel_loop3A_149 = arith.constant 16 : i32
    scf.for %parallel_loop3A_426 = %parallel_loop3A_147 to %parallel_loop3A_148 step %parallel_loop3A_149  : i32 {
      %parallel_loop3A_427 = arith.constant 16384 : i32
      %parallel_loop3A_428 = arith.addi %parallel_loop3A_427, %parallel_loop3A_426 : i32
      %parallel_loop3A_429 = arith.index_cast %parallel_loop3A_428 : i32 to index
      %parallel_loop3A_430 = tpu.vector_load %arg5[%parallel_loop3A_429] {strides = array<i32>} : memref<65536xf32, #tpu.memory_space<vmem>>, vector<16xf32>,
      %parallel_loop3A_431 = vector.shape_cast %parallel_loop3A_430 : vector<16xf32> to vector<16xf32>
      %parallel_loop3A_432 = arith.index_cast %parallel_loop3A_426 : i32 to index
      %parallel_loop3A_433 = tpu.vector_load %arg8[%parallel_loop3A_432] {strides = array<i32>} : memref<16384xf32, #tpu.memory_space<vmem>>, vector<16xf32>,
      %parallel_loop3A_434 = vector.shape_cast %parallel_loop3A_433 : vector<16xf32> to vector<16xf32>
      %parallel_loop3A_435 = vector.shape_cast %parallel_loop3A_431 : vector<16xf32> to vector<16xf32>
      tpu.vector_store %arg8[%parallel_loop3A_432], %parallel_loop3A_435 {add = true, strides = array<i32>} : memref<16384xf32, #tpu.memory_space<vmem>>, vector<16xf32>,
    } {sc.loop_unroll_factor = 16 : i64, sc.parallel_access}
    %add3A_150 = arith.constant 2097152 : i32
    %add3A_151 = arith.addi %add3A_150, %mul3A_2 : i32
    %add3A_152 = arith.constant 16384 : i32
    %add3A_153 = arith.addi %add3A_151, %add3A_152 : i32
    %dma_start3A_154 = tpu.memref_slice %arg4[%add3A_153] : memref<8388608xf32, #tpu.memory_space<hbm>> -> memref<16384xf32, #tpu.memory_space<hbm>>
    %dma_start3A_155 = tpu.memref_slice %arg4[%add3A_153] : memref<8388608xf32, #tpu.memory_space<hbm>> -> memref<16384xf32, #tpu.memory_space<hbm>>
    tpu.enqueue_dma source(%arg8 : memref<16384xf32, #tpu.memory_space<vmem>>) target(%dma_start3A_155 : memref<16384xf32, #tpu.memory_space<hbm>>) target_semaphore(%arg14 : memref<!tpu.dma_semaphore, #tpu.memory_space<semaphore_mem>>)
    %add3A_156 = arith.constant 2097152 : i32
    %add3A_157 = arith.addi %add3A_156, %mul3A_2 : i32
    %add3A_158 = arith.constant 0 : i32
    %add3A_159 = arith.addi %add3A_157, %add3A_158 : i32
    %dma_wait3A_160 = tpu.memref_slice %arg4[%add3A_159] : memref<8388608xf32, #tpu.memory_space<hbm>> -> memref<16384xf32, #tpu.memory_space<hbm>>
    %dma_wait3A_161 = tpu.memref_slice %arg4[%add3A_159] : memref<8388608xf32, #tpu.memory_space<hbm>> -> memref<16384xf32, #tpu.memory_space<hbm>>
    tpu.wait_dma2 semaphore(%arg13 : memref<!tpu.dma_semaphore, #tpu.memory_space<semaphore_mem>>) src(%arg7 : memref<16384xf32, #tpu.memory_space<vmem>>) dst(%dma_wait3A_161 : memref<16384xf32, #tpu.memory_space<hbm>>)
    %add3A_162 = arith.constant 2097152 : i32
    %add3A_163 = arith.addi %add3A_162, %mul3A_2 : i32
    %add3A_164 = arith.constant 49152 : i32
    %add3A_165 = arith.addi %add3A_163, %add3A_164 : i32
    %dma_start3A_166 = tpu.memref_slice %arg2[%add3A_165] : memref<8388608xf32, #tpu.memory_space<hbm>> -> memref<16384xf32, #tpu.memory_space<hbm>>
    %dma_start3A_167 = tpu.memref_slice %arg2[%add3A_165] : memref<8388608xf32, #tpu.memory_space<hbm>> -> memref<16384xf32, #tpu.memory_space<hbm>>
    tpu.enqueue_dma source(%dma_start3A_167 : memref<16384xf32, #tpu.memory_space<hbm>>) target(%arg7 : memref<16384xf32, #tpu.memory_space<vmem>>) target_semaphore(%arg10 : memref<!tpu.dma_semaphore, #tpu.memory_space<semaphore_mem>>)
    %add3A_168 = arith.constant 2097152 : i32
    %add3A_169 = arith.addi %add3A_168, %mul3A_2 : i32
    %add3A_170 = arith.constant 32768 : i32
    %add3A_171 = arith.addi %add3A_169, %add3A_170 : i32
    %dma_wait3A_172 = tpu.memref_slice %arg2[%add3A_171] : memref<8388608xf32, #tpu.memory_space<hbm>> -> memref<16384xf32, #tpu.memory_space<hbm>>
    %dma_wait3A_173 = tpu.memref_slice %arg2[%add3A_171] : memref<8388608xf32, #tpu.memory_space<hbm>> -> memref<16384xf32, #tpu.memory_space<hbm>>
    tpu.wait_dma2 semaphore(%arg9 : memref<!tpu.dma_semaphore, #tpu.memory_space<semaphore_mem>>) src(%dma_wait3A_173 : memref<16384xf32, #tpu.memory_space<hbm>>) dst(%arg6 : memref<16384xf32, #tpu.memory_space<vmem>>)
    %parallel_loop3A_174 = arith.constant 0 : i32
    %parallel_loop3A_175 = arith.constant 16384 : i32
    %parallel_loop3A_176 = arith.constant 16 : i32
    scf.for %parallel_loop3A_426 = %parallel_loop3A_174 to %parallel_loop3A_175 step %parallel_loop3A_176  : i32 {
      %parallel_loop3A_427 = arith.constant 32768 : i32
      %parallel_loop3A_428 = arith.addi %parallel_loop3A_427, %parallel_loop3A_426 : i32
      %parallel_loop3A_429 = arith.index_cast %parallel_loop3A_428 : i32 to index
      %parallel_loop3A_430 = tpu.vector_load %arg5[%parallel_loop3A_429] {strides = array<i32>} : memref<65536xf32, #tpu.memory_space<vmem>>, vector<16xf32>,
      %parallel_loop3A_431 = vector.shape_cast %parallel_loop3A_430 : vector<16xf32> to vector<16xf32>
      %parallel_loop3A_432 = arith.index_cast %parallel_loop3A_426 : i32 to index
      %parallel_loop3A_433 = tpu.vector_load %arg6[%parallel_loop3A_432] {strides = array<i32>} : memref<16384xf32, #tpu.memory_space<vmem>>, vector<16xf32>,
      %parallel_loop3A_434 = vector.shape_cast %parallel_loop3A_433 : vector<16xf32> to vector<16xf32>
      %parallel_loop3A_435 = vector.shape_cast %parallel_loop3A_431 : vector<16xf32> to vector<16xf32>
      tpu.vector_store %arg6[%parallel_loop3A_432], %parallel_loop3A_435 {add = true, strides = array<i32>} : memref<16384xf32, #tpu.memory_space<vmem>>, vector<16xf32>,
    } {sc.loop_unroll_factor = 16 : i64, sc.parallel_access}
    %add3A_177 = arith.constant 2097152 : i32
    %add3A_178 = arith.addi %add3A_177, %mul3A_2 : i32
    %add3A_179 = arith.constant 32768 : i32
    %add3A_180 = arith.addi %add3A_178, %add3A_179 : i32
    %dma_start3A_181 = tpu.memref_slice %arg4[%add3A_180] : memref<8388608xf32, #tpu.memory_space<hbm>> -> memref<16384xf32, #tpu.memory_space<hbm>>
    %dma_start3A_182 = tpu.memref_slice %arg4[%add3A_180] : memref<8388608xf32, #tpu.memory_space<hbm>> -> memref<16384xf32, #tpu.memory_space<hbm>>
    tpu.enqueue_dma source(%arg6 : memref<16384xf32, #tpu.memory_space<vmem>>) target(%dma_start3A_182 : memref<16384xf32, #tpu.memory_space<hbm>>) target_semaphore(%arg12 : memref<!tpu.dma_semaphore, #tpu.memory_space<semaphore_mem>>)
    %add3A_183 = arith.constant 2097152 : i32
    %add3A_184 = arith.addi %add3A_183, %mul3A_2 : i32
    %add3A_185 = arith.constant 16384 : i32
    %add3A_186 = arith.addi %add3A_184, %add3A_185 : i32
    %dma_wait3A_187 = tpu.memref_slice %arg4[%add3A_186] : memref<8388608xf32, #tpu.memory_space<hbm>> -> memref<16384xf32, #tpu.memory_space<hbm>>
    %dma_wait3A_188 = tpu.memref_slice %arg4[%add3A_186] : memref<8388608xf32, #tpu.memory_space<hbm>> -> memref<16384xf32, #tpu.memory_space<hbm>>
    tpu.wait_dma2 semaphore(%arg14 : memref<!tpu.dma_semaphore, #tpu.memory_space<semaphore_mem>>) src(%arg8 : memref<16384xf32, #tpu.memory_space<vmem>>) dst(%dma_wait3A_188 : memref<16384xf32, #tpu.memory_space<hbm>>)
    %add3A_189 = arith.constant 4194304 : i32
    %add3A_190 = arith.addi %add3A_189, %mul3A_2 : i32
    %add3A_191 = arith.constant 0 : i32
    %add3A_192 = arith.addi %add3A_190, %add3A_191 : i32
    %dma_start3A_193 = tpu.memref_slice %arg2[%add3A_192] : memref<8388608xf32, #tpu.memory_space<hbm>> -> memref<16384xf32, #tpu.memory_space<hbm>>
    %dma_start3A_194 = tpu.memref_slice %arg2[%add3A_192] : memref<8388608xf32, #tpu.memory_space<hbm>> -> memref<16384xf32, #tpu.memory_space<hbm>>
    tpu.enqueue_dma source(%dma_start3A_194 : memref<16384xf32, #tpu.memory_space<hbm>>) target(%arg8 : memref<16384xf32, #tpu.memory_space<vmem>>) target_semaphore(%arg11 : memref<!tpu.dma_semaphore, #tpu.memory_space<semaphore_mem>>)
    %add3A_195 = arith.constant 2097152 : i32
    %add3A_196 = arith.addi %add3A_195, %mul3A_2 : i32
    %add3A_197 = arith.constant 49152 : i32
    %add3A_198 = arith.addi %add3A_196, %add3A_197 : i32
    %dma_wait3A_199 = tpu.memref_slice %arg2[%add3A_198] : memref<8388608xf32, #tpu.memory_space<hbm>> -> memref<16384xf32, #tpu.memory_space<hbm>>
    %dma_wait3A_200 = tpu.memref_slice %arg2[%add3A_198] : memref<8388608xf32, #tpu.memory_space<hbm>> -> memref<16384xf32, #tpu.memory_space<hbm>>
    tpu.wait_dma2 semaphore(%arg10 : memref<!tpu.dma_semaphore, #tpu.memory_space<semaphore_mem>>) src(%dma_wait3A_200 : memref<16384xf32, #tpu.memory_space<hbm>>) dst(%arg7 : memref<16384xf32, #tpu.memory_space<vmem>>)
    %parallel_loop3A_201 = arith.constant 0 : i32
    %parallel_loop3A_202 = arith.constant 16384 : i32
    %parallel_loop3A_203 = arith.constant 16 : i32
    scf.for %parallel_loop3A_426 = %parallel_loop3A_201 to %parallel_loop3A_202 step %parallel_loop3A_203  : i32 {
      %parallel_loop3A_427 = arith.constant 49152 : i32
      %parallel_loop3A_428 = arith.addi %parallel_loop3A_427, %parallel_loop3A_426 : i32
      %parallel_loop3A_429 = arith.index_cast %parallel_loop3A_428 : i32 to index
      %parallel_loop3A_430 = tpu.vector_load %arg5[%parallel_loop3A_429] {strides = array<i32>} : memref<65536xf32, #tpu.memory_space<vmem>>, vector<16xf32>,
      %parallel_loop3A_431 = vector.shape_cast %parallel_loop3A_430 : vector<16xf32> to vector<16xf32>
      %parallel_loop3A_432 = arith.index_cast %parallel_loop3A_426 : i32 to index
      %parallel_loop3A_433 = tpu.vector_load %arg7[%parallel_loop3A_432] {strides = array<i32>} : memref<16384xf32, #tpu.memory_space<vmem>>, vector<16xf32>,
      %parallel_loop3A_434 = vector.shape_cast %parallel_loop3A_433 : vector<16xf32> to vector<16xf32>
      %parallel_loop3A_435 = vector.shape_cast %parallel_loop3A_431 : vector<16xf32> to vector<16xf32>
      tpu.vector_store %arg7[%parallel_loop3A_432], %parallel_loop3A_435 {add = true, strides = array<i32>} : memref<16384xf32, #tpu.memory_space<vmem>>, vector<16xf32>,
    } {sc.loop_unroll_factor = 16 : i64, sc.parallel_access}
    %add3A_204 = arith.constant 2097152 : i32
    %add3A_205 = arith.addi %add3A_204, %mul3A_2 : i32
    %add3A_206 = arith.constant 49152 : i32
    %add3A_207 = arith.addi %add3A_205, %add3A_206 : i32
    %dma_start3A_208 = tpu.memref_slice %arg4[%add3A_207] : memref<8388608xf32, #tpu.memory_space<hbm>> -> memref<16384xf32, #tpu.memory_space<hbm>>
    %dma_start3A_209 = tpu.memref_slice %arg4[%add3A_207] : memref<8388608xf32, #tpu.memory_space<hbm>> -> memref<16384xf32, #tpu.memory_space<hbm>>
    tpu.enqueue_dma source(%arg7 : memref<16384xf32, #tpu.memory_space<vmem>>) target(%dma_start3A_209 : memref<16384xf32, #tpu.memory_space<hbm>>) target_semaphore(%arg13 : memref<!tpu.dma_semaphore, #tpu.memory_space<semaphore_mem>>)
    %add3A_210 = arith.constant 2097152 : i32
    %add3A_211 = arith.addi %add3A_210, %mul3A_2 : i32
    %add3A_212 = arith.constant 32768 : i32
    %add3A_213 = arith.addi %add3A_211, %add3A_212 : i32
    %dma_wait3A_214 = tpu.memref_slice %arg4[%add3A_213] : memref<8388608xf32, #tpu.memory_space<hbm>> -> memref<16384xf32, #tpu.memory_space<hbm>>
    %dma_wait3A_215 = tpu.memref_slice %arg4[%add3A_213] : memref<8388608xf32, #tpu.memory_space<hbm>> -> memref<16384xf32, #tpu.memory_space<hbm>>
    tpu.wait_dma2 semaphore(%arg12 : memref<!tpu.dma_semaphore, #tpu.memory_space<semaphore_mem>>) src(%arg6 : memref<16384xf32, #tpu.memory_space<vmem>>) dst(%dma_wait3A_215 : memref<16384xf32, #tpu.memory_space<hbm>>)
    %add3A_216 = arith.constant 4194304 : i32
    %add3A_217 = arith.addi %add3A_216, %mul3A_2 : i32
    %add3A_218 = arith.constant 16384 : i32
    %add3A_219 = arith.addi %add3A_217, %add3A_218 : i32
    %dma_start3A_220 = tpu.memref_slice %arg2[%add3A_219] : memref<8388608xf32, #tpu.memory_space<hbm>> -> memref<16384xf32, #tpu.memory_space<hbm>>
    %dma_start3A_221 = tpu.memref_slice %arg2[%add3A_219] : memref<8388608xf32, #tpu.memory_space<hbm>> -> memref<16384xf32, #tpu.memory_space<hbm>>
    tpu.enqueue_dma source(%dma_start3A_221 : memref<16384xf32, #tpu.memory_space<hbm>>) target(%arg6 : memref<16384xf32, #tpu.memory_space<vmem>>) target_semaphore(%arg9 : memref<!tpu.dma_semaphore, #tpu.memory_space<semaphore_mem>>)
    %add3A_222 = arith.constant 4194304 : i32
    %add3A_223 = arith.addi %add3A_222, %mul3A_2 : i32
    %add3A_224 = arith.constant 0 : i32
    %add3A_225 = arith.addi %add3A_223, %add3A_224 : i32
    %dma_wait3A_226 = tpu.memref_slice %arg2[%add3A_225] : memref<8388608xf32, #tpu.memory_space<hbm>> -> memref<16384xf32, #tpu.memory_space<hbm>>
    %dma_wait3A_227 = tpu.memref_slice %arg2[%add3A_225] : memref<8388608xf32, #tpu.memory_space<hbm>> -> memref<16384xf32, #tpu.memory_space<hbm>>
    tpu.wait_dma2 semaphore(%arg11 : memref<!tpu.dma_semaphore, #tpu.memory_space<semaphore_mem>>) src(%dma_wait3A_227 : memref<16384xf32, #tpu.memory_space<hbm>>) dst(%arg8 : memref<16384xf32, #tpu.memory_space<vmem>>)
    %parallel_loop3A_228 = arith.constant 0 : i32
    %parallel_loop3A_229 = arith.constant 16384 : i32
    %parallel_loop3A_230 = arith.constant 16 : i32
    scf.for %parallel_loop3A_426 = %parallel_loop3A_228 to %parallel_loop3A_229 step %parallel_loop3A_230  : i32 {
      %parallel_loop3A_427 = arith.constant 0 : i32
      %parallel_loop3A_428 = arith.addi %parallel_loop3A_427, %parallel_loop3A_426 : i32
      %parallel_loop3A_429 = arith.index_cast %parallel_loop3A_428 : i32 to index
      %parallel_loop3A_430 = tpu.vector_load %arg5[%parallel_loop3A_429] {strides = array<i32>} : memref<65536xf32, #tpu.memory_space<vmem>>, vector<16xf32>,
      %parallel_loop3A_431 = vector.shape_cast %parallel_loop3A_430 : vector<16xf32> to vector<16xf32>
      %parallel_loop3A_432 = arith.index_cast %parallel_loop3A_426 : i32 to index
      %parallel_loop3A_433 = tpu.vector_load %arg8[%parallel_loop3A_432] {strides = array<i32>} : memref<16384xf32, #tpu.memory_space<vmem>>, vector<16xf32>,
      %parallel_loop3A_434 = vector.shape_cast %parallel_loop3A_433 : vector<16xf32> to vector<16xf32>
      %parallel_loop3A_435 = vector.shape_cast %parallel_loop3A_431 : vector<16xf32> to vector<16xf32>
      tpu.vector_store %arg8[%parallel_loop3A_432], %parallel_loop3A_435 {add = true, strides = array<i32>} : memref<16384xf32, #tpu.memory_space<vmem>>, vector<16xf32>,
    } {sc.loop_unroll_factor = 16 : i64, sc.parallel_access}
    %add3A_231 = arith.constant 4194304 : i32
    %add3A_232 = arith.addi %add3A_231, %mul3A_2 : i32
    %add3A_233 = arith.constant 0 : i32
    %add3A_234 = arith.addi %add3A_232, %add3A_233 : i32
    %dma_start3A_235 = tpu.memref_slice %arg4[%add3A_234] : memref<8388608xf32, #tpu.memory_space<hbm>> -> memref<16384xf32, #tpu.memory_space<hbm>>
    %dma_start3A_236 = tpu.memref_slice %arg4[%add3A_234] : memref<8388608xf32, #tpu.memory_space<hbm>> -> memref<16384xf32, #tpu.memory_space<hbm>>
    tpu.enqueue_dma source(%arg8 : memref<16384xf32, #tpu.memory_space<vmem>>) target(%dma_start3A_236 : memref<16384xf32, #tpu.memory_space<hbm>>) target_semaphore(%arg14 : memref<!tpu.dma_semaphore, #tpu.memory_space<semaphore_mem>>)
    %add3A_237 = arith.constant 2097152 : i32
    %add3A_238 = arith.addi %add3A_237, %mul3A_2 : i32
    %add3A_239 = arith.constant 49152 : i32
    %add3A_240 = arith.addi %add3A_238, %add3A_239 : i32
    %dma_wait3A_241 = tpu.memref_slice %arg4[%add3A_240] : memref<8388608xf32, #tpu.memory_space<hbm>> -> memref<16384xf32, #tpu.memory_space<hbm>>
    %dma_wait3A_242 = tpu.memref_slice %arg4[%add3A_240] : memref<8388608xf32, #tpu.memory_space<hbm>> -> memref<16384xf32, #tpu.memory_space<hbm>>
    tpu.wait_dma2 semaphore(%arg13 : memref<!tpu.dma_semaphore, #tpu.memory_space<semaphore_mem>>) src(%arg7 : memref<16384xf32, #tpu.memory_space<vmem>>) dst(%dma_wait3A_242 : memref<16384xf32, #tpu.memory_space<hbm>>)
    %add3A_243 = arith.constant 4194304 : i32
    %add3A_244 = arith.addi %add3A_243, %mul3A_2 : i32
    %add3A_245 = arith.constant 32768 : i32
    %add3A_246 = arith.addi %add3A_244, %add3A_245 : i32
    %dma_start3A_247 = tpu.memref_slice %arg2[%add3A_246] : memref<8388608xf32, #tpu.memory_space<hbm>> -> memref<16384xf32, #tpu.memory_space<hbm>>
    %dma_start3A_248 = tpu.memref_slice %arg2[%add3A_246] : memref<8388608xf32, #tpu.memory_space<hbm>> -> memref<16384xf32, #tpu.memory_space<hbm>>
    tpu.enqueue_dma source(%dma_start3A_248 : memref<16384xf32, #tpu.memory_space<hbm>>) target(%arg7 : memref<16384xf32, #tpu.memory_space<vmem>>) target_semaphore(%arg10 : memref<!tpu.dma_semaphore, #tpu.memory_space<semaphore_mem>>)
    %add3A_249 = arith.constant 4194304 : i32
    %add3A_250 = arith.addi %add3A_249, %mul3A_2 : i32
    %add3A_251 = arith.constant 16384 : i32
    %add3A_252 = arith.addi %add3A_250, %add3A_251 : i32
    %dma_wait3A_253 = tpu.memref_slice %arg2[%add3A_252] : memref<8388608xf32, #tpu.memory_space<hbm>> -> memref<16384xf32, #tpu.memory_space<hbm>>
    %dma_wait3A_254 = tpu.memref_slice %arg2[%add3A_252] : memref<8388608xf32, #tpu.memory_space<hbm>> -> memref<16384xf32, #tpu.memory_space<hbm>>
    tpu.wait_dma2 semaphore(%arg9 : memref<!tpu.dma_semaphore, #tpu.memory_space<semaphore_mem>>) src(%dma_wait3A_254 : memref<16384xf32, #tpu.memory_space<hbm>>) dst(%arg6 : memref<16384xf32, #tpu.memory_space<vmem>>)
    %parallel_loop3A_255 = arith.constant 0 : i32
    %parallel_loop3A_256 = arith.constant 16384 : i32
    %parallel_loop3A_257 = arith.constant 16 : i32
    scf.for %parallel_loop3A_426 = %parallel_loop3A_255 to %parallel_loop3A_256 step %parallel_loop3A_257  : i32 {
      %parallel_loop3A_427 = arith.constant 16384 : i32
      %parallel_loop3A_428 = arith.addi %parallel_loop3A_427, %parallel_loop3A_426 : i32
      %parallel_loop3A_429 = arith.index_cast %parallel_loop3A_428 : i32 to index
      %parallel_loop3A_430 = tpu.vector_load %arg5[%parallel_loop3A_429] {strides = array<i32>} : memref<65536xf32, #tpu.memory_space<vmem>>, vector<16xf32>,
      %parallel_loop3A_431 = vector.shape_cast %parallel_loop3A_430 : vector<16xf32> to vector<16xf32>
      %parallel_loop3A_432 = arith.index_cast %parallel_loop3A_426 : i32 to index
      %parallel_loop3A_433 = tpu.vector_load %arg6[%parallel_loop3A_432] {strides = array<i32>} : memref<16384xf32, #tpu.memory_space<vmem>>, vector<16xf32>,
      %parallel_loop3A_434 = vector.shape_cast %parallel_loop3A_433 : vector<16xf32> to vector<16xf32>
      %parallel_loop3A_435 = vector.shape_cast %parallel_loop3A_431 : vector<16xf32> to vector<16xf32>
      tpu.vector_store %arg6[%parallel_loop3A_432], %parallel_loop3A_435 {add = true, strides = array<i32>} : memref<16384xf32, #tpu.memory_space<vmem>>, vector<16xf32>,
    } {sc.loop_unroll_factor = 16 : i64, sc.parallel_access}
    %add3A_258 = arith.constant 4194304 : i32
    %add3A_259 = arith.addi %add3A_258, %mul3A_2 : i32
    %add3A_260 = arith.constant 16384 : i32
    %add3A_261 = arith.addi %add3A_259, %add3A_260 : i32
    %dma_start3A_262 = tpu.memref_slice %arg4[%add3A_261] : memref<8388608xf32, #tpu.memory_space<hbm>> -> memref<16384xf32, #tpu.memory_space<hbm>>
    %dma_start3A_263 = tpu.memref_slice %arg4[%add3A_261] : memref<8388608xf32, #tpu.memory_space<hbm>> -> memref<16384xf32, #tpu.memory_space<hbm>>
    tpu.enqueue_dma source(%arg6 : memref<16384xf32, #tpu.memory_space<vmem>>) target(%dma_start3A_263 : memref<16384xf32, #tpu.memory_space<hbm>>) target_semaphore(%arg12 : memref<!tpu.dma_semaphore, #tpu.memory_space<semaphore_mem>>)
    %add3A_264 = arith.constant 4194304 : i32
    %add3A_265 = arith.addi %add3A_264, %mul3A_2 : i32
    %add3A_266 = arith.constant 0 : i32
    %add3A_267 = arith.addi %add3A_265, %add3A_266 : i32
    %dma_wait3A_268 = tpu.memref_slice %arg4[%add3A_267] : memref<8388608xf32, #tpu.memory_space<hbm>> -> memref<16384xf32, #tpu.memory_space<hbm>>
    %dma_wait3A_269 = tpu.memref_slice %arg4[%add3A_267] : memref<8388608xf32, #tpu.memory_space<hbm>> -> memref<16384xf32, #tpu.memory_space<hbm>>
    tpu.wait_dma2 semaphore(%arg14 : memref<!tpu.dma_semaphore, #tpu.memory_space<semaphore_mem>>) src(%arg8 : memref<16384xf32, #tpu.memory_space<vmem>>) dst(%dma_wait3A_269 : memref<16384xf32, #tpu.memory_space<hbm>>)
    %add3A_270 = arith.constant 4194304 : i32
    %add3A_271 = arith.addi %add3A_270, %mul3A_2 : i32
    %add3A_272 = arith.constant 49152 : i32
    %add3A_273 = arith.addi %add3A_271, %add3A_272 : i32
    %dma_start3A_274 = tpu.memref_slice %arg2[%add3A_273] : memref<8388608xf32, #tpu.memory_space<hbm>> -> memref<16384xf32, #tpu.memory_space<hbm>>
    %dma_start3A_275 = tpu.memref_slice %arg2[%add3A_273] : memref<8388608xf32, #tpu.memory_space<hbm>> -> memref<16384xf32, #tpu.memory_space<hbm>>
    tpu.enqueue_dma source(%dma_start3A_275 : memref<16384xf32, #tpu.memory_space<hbm>>) target(%arg8 : memref<16384xf32, #tpu.memory_space<vmem>>) target_semaphore(%arg11 : memref<!tpu.dma_semaphore, #tpu.memory_space<semaphore_mem>>)
    %add3A_276 = arith.constant 4194304 : i32
    %add3A_277 = arith.addi %add3A_276, %mul3A_2 : i32
    %add3A_278 = arith.constant 32768 : i32
    %add3A_279 = arith.addi %add3A_277, %add3A_278 : i32
    %dma_wait3A_280 = tpu.memref_slice %arg2[%add3A_279] : memref<8388608xf32, #tpu.memory_space<hbm>> -> memref<16384xf32, #tpu.memory_space<hbm>>
    %dma_wait3A_281 = tpu.memref_slice %arg2[%add3A_279] : memref<8388608xf32, #tpu.memory_space<hbm>> -> memref<16384xf32, #tpu.memory_space<hbm>>
    tpu.wait_dma2 semaphore(%arg10 : memref<!tpu.dma_semaphore, #tpu.memory_space<semaphore_mem>>) src(%dma_wait3A_281 : memref<16384xf32, #tpu.memory_space<hbm>>) dst(%arg7 : memref<16384xf32, #tpu.memory_space<vmem>>)
    %parallel_loop3A_282 = arith.constant 0 : i32
    %parallel_loop3A_283 = arith.constant 16384 : i32
    %parallel_loop3A_284 = arith.constant 16 : i32
    scf.for %parallel_loop3A_426 = %parallel_loop3A_282 to %parallel_loop3A_283 step %parallel_loop3A_284  : i32 {
      %parallel_loop3A_427 = arith.constant 32768 : i32
      %parallel_loop3A_428 = arith.addi %parallel_loop3A_427, %parallel_loop3A_426 : i32
      %parallel_loop3A_429 = arith.index_cast %parallel_loop3A_428 : i32 to index
      %parallel_loop3A_430 = tpu.vector_load %arg5[%parallel_loop3A_429] {strides = array<i32>} : memref<65536xf32, #tpu.memory_space<vmem>>, vector<16xf32>,
      %parallel_loop3A_431 = vector.shape_cast %parallel_loop3A_430 : vector<16xf32> to vector<16xf32>
      %parallel_loop3A_432 = arith.index_cast %parallel_loop3A_426 : i32 to index
      %parallel_loop3A_433 = tpu.vector_load %arg7[%parallel_loop3A_432] {strides = array<i32>} : memref<16384xf32, #tpu.memory_space<vmem>>, vector<16xf32>,
      %parallel_loop3A_434 = vector.shape_cast %parallel_loop3A_433 : vector<16xf32> to vector<16xf32>
      %parallel_loop3A_435 = vector.shape_cast %parallel_loop3A_431 : vector<16xf32> to vector<16xf32>
      tpu.vector_store %arg7[%parallel_loop3A_432], %parallel_loop3A_435 {add = true, strides = array<i32>} : memref<16384xf32, #tpu.memory_space<vmem>>, vector<16xf32>,
    } {sc.loop_unroll_factor = 16 : i64, sc.parallel_access}
    %add3A_285 = arith.constant 4194304 : i32
    %add3A_286 = arith.addi %add3A_285, %mul3A_2 : i32
    %add3A_287 = arith.constant 32768 : i32
    %add3A_288 = arith.addi %add3A_286, %add3A_287 : i32
    %dma_start3A_289 = tpu.memref_slice %arg4[%add3A_288] : memref<8388608xf32, #tpu.memory_space<hbm>> -> memref<16384xf32, #tpu.memory_space<hbm>>
    %dma_start3A_290 = tpu.memref_slice %arg4[%add3A_288] : memref<8388608xf32, #tpu.memory_space<hbm>> -> memref<16384xf32, #tpu.memory_space<hbm>>
    tpu.enqueue_dma source(%arg7 : memref<16384xf32, #tpu.memory_space<vmem>>) target(%dma_start3A_290 : memref<16384xf32, #tpu.memory_space<hbm>>) target_semaphore(%arg13 : memref<!tpu.dma_semaphore, #tpu.memory_space<semaphore_mem>>)
    %add3A_291 = arith.constant 4194304 : i32
    %add3A_292 = arith.addi %add3A_291, %mul3A_2 : i32
    %add3A_293 = arith.constant 16384 : i32
    %add3A_294 = arith.addi %add3A_292, %add3A_293 : i32
    %dma_wait3A_295 = tpu.memref_slice %arg4[%add3A_294] : memref<8388608xf32, #tpu.memory_space<hbm>> -> memref<16384xf32, #tpu.memory_space<hbm>>
    %dma_wait3A_296 = tpu.memref_slice %arg4[%add3A_294] : memref<8388608xf32, #tpu.memory_space<hbm>> -> memref<16384xf32, #tpu.memory_space<hbm>>
    tpu.wait_dma2 semaphore(%arg12 : memref<!tpu.dma_semaphore, #tpu.memory_space<semaphore_mem>>) src(%arg6 : memref<16384xf32, #tpu.memory_space<vmem>>) dst(%dma_wait3A_296 : memref<16384xf32, #tpu.memory_space<hbm>>)
    %add3A_297 = arith.constant 6291456 : i32
    %add3A_298 = arith.addi %add3A_297, %mul3A_2 : i32
    %add3A_299 = arith.constant 0 : i32
    %add3A_300 = arith.addi %add3A_298, %add3A_299 : i32
    %dma_start3A_301 = tpu.memref_slice %arg2[%add3A_300] : memref<8388608xf32, #tpu.memory_space<hbm>> -> memref<16384xf32, #tpu.memory_space<hbm>>
    %dma_start3A_302 = tpu.memref_slice %arg2[%add3A_300] : memref<8388608xf32, #tpu.memory_space<hbm>> -> memref<16384xf32, #tpu.memory_space<hbm>>
    tpu.enqueue_dma source(%dma_start3A_302 : memref<16384xf32, #tpu.memory_space<hbm>>) target(%arg6 : memref<16384xf32, #tpu.memory_space<vmem>>) target_semaphore(%arg9 : memref<!tpu.dma_semaphore, #tpu.memory_space<semaphore_mem>>)
    %add3A_303 = arith.constant 4194304 : i32
    %add3A_304 = arith.addi %add3A_303, %mul3A_2 : i32
    %add3A_305 = arith.constant 49152 : i32
    %add3A_306 = arith.addi %add3A_304, %add3A_305 : i32
    %dma_wait3A_307 = tpu.memref_slice %arg2[%add3A_306] : memref<8388608xf32, #tpu.memory_space<hbm>> -> memref<16384xf32, #tpu.memory_space<hbm>>
    %dma_wait3A_308 = tpu.memref_slice %arg2[%add3A_306] : memref<8388608xf32, #tpu.memory_space<hbm>> -> memref<16384xf32, #tpu.memory_space<hbm>>
    tpu.wait_dma2 semaphore(%arg11 : memref<!tpu.dma_semaphore, #tpu.memory_space<semaphore_mem>>) src(%dma_wait3A_308 : memref<16384xf32, #tpu.memory_space<hbm>>) dst(%arg8 : memref<16384xf32, #tpu.memory_space<vmem>>)
    %parallel_loop3A_309 = arith.constant 0 : i32
    %parallel_loop3A_310 = arith.constant 16384 : i32
    %parallel_loop3A_311 = arith.constant 16 : i32
    scf.for %parallel_loop3A_426 = %parallel_loop3A_309 to %parallel_loop3A_310 step %parallel_loop3A_311  : i32 {
      %parallel_loop3A_427 = arith.constant 49152 : i32
      %parallel_loop3A_428 = arith.addi %parallel_loop3A_427, %parallel_loop3A_426 : i32
      %parallel_loop3A_429 = arith.index_cast %parallel_loop3A_428 : i32 to index
      %parallel_loop3A_430 = tpu.vector_load %arg5[%parallel_loop3A_429] {strides = array<i32>} : memref<65536xf32, #tpu.memory_space<vmem>>, vector<16xf32>,
      %parallel_loop3A_431 = vector.shape_cast %parallel_loop3A_430 : vector<16xf32> to vector<16xf32>
      %parallel_loop3A_432 = arith.index_cast %parallel_loop3A_426 : i32 to index
      %parallel_loop3A_433 = tpu.vector_load %arg8[%parallel_loop3A_432] {strides = array<i32>} : memref<16384xf32, #tpu.memory_space<vmem>>, vector<16xf32>,
      %parallel_loop3A_434 = vector.shape_cast %parallel_loop3A_433 : vector<16xf32> to vector<16xf32>
      %parallel_loop3A_435 = vector.shape_cast %parallel_loop3A_431 : vector<16xf32> to vector<16xf32>
      tpu.vector_store %arg8[%parallel_loop3A_432], %parallel_loop3A_435 {add = true, strides = array<i32>} : memref<16384xf32, #tpu.memory_space<vmem>>, vector<16xf32>,
    } {sc.loop_unroll_factor = 16 : i64, sc.parallel_access}
    %add3A_312 = arith.constant 4194304 : i32
    %add3A_313 = arith.addi %add3A_312, %mul3A_2 : i32
    %add3A_314 = arith.constant 49152 : i32
    %add3A_315 = arith.addi %add3A_313, %add3A_314 : i32
    %dma_start3A_316 = tpu.memref_slice %arg4[%add3A_315] : memref<8388608xf32, #tpu.memory_space<hbm>> -> memref<16384xf32, #tpu.memory_space<hbm>>
    %dma_start3A_317 = tpu.memref_slice %arg4[%add3A_315] : memref<8388608xf32, #tpu.memory_space<hbm>> -> memref<16384xf32, #tpu.memory_space<hbm>>
    tpu.enqueue_dma source(%arg8 : memref<16384xf32, #tpu.memory_space<vmem>>) target(%dma_start3A_317 : memref<16384xf32, #tpu.memory_space<hbm>>) target_semaphore(%arg14 : memref<!tpu.dma_semaphore, #tpu.memory_space<semaphore_mem>>)
    %add3A_318 = arith.constant 4194304 : i32
    %add3A_319 = arith.addi %add3A_318, %mul3A_2 : i32
    %add3A_320 = arith.constant 32768 : i32
    %add3A_321 = arith.addi %add3A_319, %add3A_320 : i32
    %dma_wait3A_322 = tpu.memref_slice %arg4[%add3A_321] : memref<8388608xf32, #tpu.memory_space<hbm>> -> memref<16384xf32, #tpu.memory_space<hbm>>
    %dma_wait3A_323 = tpu.memref_slice %arg4[%add3A_321] : memref<8388608xf32, #tpu.memory_space<hbm>> -> memref<16384xf32, #tpu.memory_space<hbm>>
    tpu.wait_dma2 semaphore(%arg13 : memref<!tpu.dma_semaphore, #tpu.memory_space<semaphore_mem>>) src(%arg7 : memref<16384xf32, #tpu.memory_space<vmem>>) dst(%dma_wait3A_323 : memref<16384xf32, #tpu.memory_space<hbm>>)
    %add3A_324 = arith.constant 6291456 : i32
    %add3A_325 = arith.addi %add3A_324, %mul3A_2 : i32
    %add3A_326 = arith.constant 16384 : i32
    %add3A_327 = arith.addi %add3A_325, %add3A_326 : i32
    %dma_start3A_328 = tpu.memref_slice %arg2[%add3A_327] : memref<8388608xf32, #tpu.memory_space<hbm>> -> memref<16384xf32, #tpu.memory_space<hbm>>
    %dma_start3A_329 = tpu.memref_slice %arg2[%add3A_327] : memref<8388608xf32, #tpu.memory_space<hbm>> -> memref<16384xf32, #tpu.memory_space<hbm>>
    tpu.enqueue_dma source(%dma_start3A_329 : memref<16384xf32, #tpu.memory_space<hbm>>) target(%arg7 : memref<16384xf32, #tpu.memory_space<vmem>>) target_semaphore(%arg10 : memref<!tpu.dma_semaphore, #tpu.memory_space<semaphore_mem>>)
    %add3A_330 = arith.constant 6291456 : i32
    %add3A_331 = arith.addi %add3A_330, %mul3A_2 : i32
    %add3A_332 = arith.constant 0 : i32
    %add3A_333 = arith.addi %add3A_331, %add3A_332 : i32
    %dma_wait3A_334 = tpu.memref_slice %arg2[%add3A_333] : memref<8388608xf32, #tpu.memory_space<hbm>> -> memref<16384xf32, #tpu.memory_space<hbm>>
    %dma_wait3A_335 = tpu.memref_slice %arg2[%add3A_333] : memref<8388608xf32, #tpu.memory_space<hbm>> -> memref<16384xf32, #tpu.memory_space<hbm>>
    tpu.wait_dma2 semaphore(%arg9 : memref<!tpu.dma_semaphore, #tpu.memory_space<semaphore_mem>>) src(%dma_wait3A_335 : memref<16384xf32, #tpu.memory_space<hbm>>) dst(%arg6 : memref<16384xf32, #tpu.memory_space<vmem>>)
    %parallel_loop3A_336 = arith.constant 0 : i32
    %parallel_loop3A_337 = arith.constant 16384 : i32
    %parallel_loop3A_338 = arith.constant 16 : i32
    scf.for %parallel_loop3A_426 = %parallel_loop3A_336 to %parallel_loop3A_337 step %parallel_loop3A_338  : i32 {
      %parallel_loop3A_427 = arith.constant 0 : i32
      %parallel_loop3A_428 = arith.addi %parallel_loop3A_427, %parallel_loop3A_426 : i32
      %parallel_loop3A_429 = arith.index_cast %parallel_loop3A_428 : i32 to index
      %parallel_loop3A_430 = tpu.vector_load %arg5[%parallel_loop3A_429] {strides = array<i32>} : memref<65536xf32, #tpu.memory_space<vmem>>, vector<16xf32>,
      %parallel_loop3A_431 = vector.shape_cast %parallel_loop3A_430 : vector<16xf32> to vector<16xf32>
      %parallel_loop3A_432 = arith.index_cast %parallel_loop3A_426 : i32 to index
      %parallel_loop3A_433 = tpu.vector_load %arg6[%parallel_loop3A_432] {strides = array<i32>} : memref<16384xf32, #tpu.memory_space<vmem>>, vector<16xf32>,
      %parallel_loop3A_434 = vector.shape_cast %parallel_loop3A_433 : vector<16xf32> to vector<16xf32>
      %parallel_loop3A_435 = vector.shape_cast %parallel_loop3A_431 : vector<16xf32> to vector<16xf32>
      tpu.vector_store %arg6[%parallel_loop3A_432], %parallel_loop3A_435 {add = true, strides = array<i32>} : memref<16384xf32, #tpu.memory_space<vmem>>, vector<16xf32>,
    } {sc.loop_unroll_factor = 16 : i64, sc.parallel_access}
    %add3A_339 = arith.constant 6291456 : i32
    %add3A_340 = arith.addi %add3A_339, %mul3A_2 : i32
    %add3A_341 = arith.constant 0 : i32
    %add3A_342 = arith.addi %add3A_340, %add3A_341 : i32
    %dma_start3A_343 = tpu.memref_slice %arg4[%add3A_342] : memref<8388608xf32, #tpu.memory_space<hbm>> -> memref<16384xf32, #tpu.memory_space<hbm>>
    %dma_start3A_344 = tpu.memref_slice %arg4[%add3A_342] : memref<8388608xf32, #tpu.memory_space<hbm>> -> memref<16384xf32, #tpu.memory_space<hbm>>
    tpu.enqueue_dma source(%arg6 : memref<16384xf32, #tpu.memory_space<vmem>>) target(%dma_start3A_344 : memref<16384xf32, #tpu.memory_space<hbm>>) target_semaphore(%arg12 : memref<!tpu.dma_semaphore, #tpu.memory_space<semaphore_mem>>)
    %add3A_345 = arith.constant 4194304 : i32
    %add3A_346 = arith.addi %add3A_345, %mul3A_2 : i32
    %add3A_347 = arith.constant 49152 : i32
    %add3A_348 = arith.addi %add3A_346, %add3A_347 : i32
    %dma_wait3A_349 = tpu.memref_slice %arg4[%add3A_348] : memref<8388608xf32, #tpu.memory_space<hbm>> -> memref<16384xf32, #tpu.memory_space<hbm>>
    %dma_wait3A_350 = tpu.memref_slice %arg4[%add3A_348] : memref<8388608xf32, #tpu.memory_space<hbm>> -> memref<16384xf32, #tpu.memory_space<hbm>>
    tpu.wait_dma2 semaphore(%arg14 : memref<!tpu.dma_semaphore, #tpu.memory_space<semaphore_mem>>) src(%arg8 : memref<16384xf32, #tpu.memory_space<vmem>>) dst(%dma_wait3A_350 : memref<16384xf32, #tpu.memory_space<hbm>>)
    %add3A_351 = arith.constant 6291456 : i32
    %add3A_352 = arith.addi %add3A_351, %mul3A_2 : i32
    %add3A_353 = arith.constant 32768 : i32
    %add3A_354 = arith.addi %add3A_352, %add3A_353 : i32
    %dma_start3A_355 = tpu.memref_slice %arg2[%add3A_354] : memref<8388608xf32, #tpu.memory_space<hbm>> -> memref<16384xf32, #tpu.memory_space<hbm>>
    %dma_start3A_356 = tpu.memref_slice %arg2[%add3A_354] : memref<8388608xf32, #tpu.memory_space<hbm>> -> memref<16384xf32, #tpu.memory_space<hbm>>
    tpu.enqueue_dma source(%dma_start3A_356 : memref<16384xf32, #tpu.memory_space<hbm>>) target(%arg8 : memref<16384xf32, #tpu.memory_space<vmem>>) target_semaphore(%arg11 : memref<!tpu.dma_semaphore, #tpu.memory_space<semaphore_mem>>)
    %add3A_357 = arith.constant 6291456 : i32
    %add3A_358 = arith.addi %add3A_357, %mul3A_2 : i32
    %add3A_359 = arith.constant 16384 : i32
    %add3A_360 = arith.addi %add3A_358, %add3A_359 : i32
    %dma_wait3A_361 = tpu.memref_slice %arg2[%add3A_360] : memref<8388608xf32, #tpu.memory_space<hbm>> -> memref<16384xf32, #tpu.memory_space<hbm>>
    %dma_wait3A_362 = tpu.memref_slice %arg2[%add3A_360] : memref<8388608xf32, #tpu.memory_space<hbm>> -> memref<16384xf32, #tpu.memory_space<hbm>>
    tpu.wait_dma2 semaphore(%arg10 : memref<!tpu.dma_semaphore, #tpu.memory_space<semaphore_mem>>) src(%dma_wait3A_362 : memref<16384xf32, #tpu.memory_space<hbm>>) dst(%arg7 : memref<16384xf32, #tpu.memory_space<vmem>>)
    %parallel_loop3A_363 = arith.constant 0 : i32
    %parallel_loop3A_364 = arith.constant 16384 : i32
    %parallel_loop3A_365 = arith.constant 16 : i32
    scf.for %parallel_loop3A_426 = %parallel_loop3A_363 to %parallel_loop3A_364 step %parallel_loop3A_365  : i32 {
      %parallel_loop3A_427 = arith.constant 16384 : i32
      %parallel_loop3A_428 = arith.addi %parallel_loop3A_427, %parallel_loop3A_426 : i32
      %parallel_loop3A_429 = arith.index_cast %parallel_loop3A_428 : i32 to index
      %parallel_loop3A_430 = tpu.vector_load %arg5[%parallel_loop3A_429] {strides = array<i32>} : memref<65536xf32, #tpu.memory_space<vmem>>, vector<16xf32>,
      %parallel_loop3A_431 = vector.shape_cast %parallel_loop3A_430 : vector<16xf32> to vector<16xf32>
      %parallel_loop3A_432 = arith.index_cast %parallel_loop3A_426 : i32 to index
      %parallel_loop3A_433 = tpu.vector_load %arg7[%parallel_loop3A_432] {strides = array<i32>} : memref<16384xf32, #tpu.memory_space<vmem>>, vector<16xf32>,
      %parallel_loop3A_434 = vector.shape_cast %parallel_loop3A_433 : vector<16xf32> to vector<16xf32>
      %parallel_loop3A_435 = vector.shape_cast %parallel_loop3A_431 : vector<16xf32> to vector<16xf32>
      tpu.vector_store %arg7[%parallel_loop3A_432], %parallel_loop3A_435 {add = true, strides = array<i32>} : memref<16384xf32, #tpu.memory_space<vmem>>, vector<16xf32>,
    } {sc.loop_unroll_factor = 16 : i64, sc.parallel_access}
    %add3A_366 = arith.constant 6291456 : i32
    %add3A_367 = arith.addi %add3A_366, %mul3A_2 : i32
    %add3A_368 = arith.constant 16384 : i32
    %add3A_369 = arith.addi %add3A_367, %add3A_368 : i32
    %dma_start3A_370 = tpu.memref_slice %arg4[%add3A_369] : memref<8388608xf32, #tpu.memory_space<hbm>> -> memref<16384xf32, #tpu.memory_space<hbm>>
    %dma_start3A_371 = tpu.memref_slice %arg4[%add3A_369] : memref<8388608xf32, #tpu.memory_space<hbm>> -> memref<16384xf32, #tpu.memory_space<hbm>>
    tpu.enqueue_dma source(%arg7 : memref<16384xf32, #tpu.memory_space<vmem>>) target(%dma_start3A_371 : memref<16384xf32, #tpu.memory_space<hbm>>) target_semaphore(%arg13 : memref<!tpu.dma_semaphore, #tpu.memory_space<semaphore_mem>>)
    %add3A_372 = arith.constant 6291456 : i32
    %add3A_373 = arith.addi %add3A_372, %mul3A_2 : i32
    %add3A_374 = arith.constant 0 : i32
    %add3A_375 = arith.addi %add3A_373, %add3A_374 : i32
    %dma_wait3A_376 = tpu.memref_slice %arg4[%add3A_375] : memref<8388608xf32, #tpu.memory_space<hbm>> -> memref<16384xf32, #tpu.memory_space<hbm>>
    %dma_wait3A_377 = tpu.memref_slice %arg4[%add3A_375] : memref<8388608xf32, #tpu.memory_space<hbm>> -> memref<16384xf32, #tpu.memory_space<hbm>>
    tpu.wait_dma2 semaphore(%arg12 : memref<!tpu.dma_semaphore, #tpu.memory_space<semaphore_mem>>) src(%arg6 : memref<16384xf32, #tpu.memory_space<vmem>>) dst(%dma_wait3A_377 : memref<16384xf32, #tpu.memory_space<hbm>>)
    %add3A_378 = arith.constant 6291456 : i32
    %add3A_379 = arith.addi %add3A_378, %mul3A_2 : i32
    %add3A_380 = arith.constant 49152 : i32
    %add3A_381 = arith.addi %add3A_379, %add3A_380 : i32
    %dma_start3A_382 = tpu.memref_slice %arg2[%add3A_381] : memref<8388608xf32, #tpu.memory_space<hbm>> -> memref<16384xf32, #tpu.memory_space<hbm>>
    %dma_start3A_383 = tpu.memref_slice %arg2[%add3A_381] : memref<8388608xf32, #tpu.memory_space<hbm>> -> memref<16384xf32, #tpu.memory_space<hbm>>
    tpu.enqueue_dma source(%dma_start3A_383 : memref<16384xf32, #tpu.memory_space<hbm>>) target(%arg6 : memref<16384xf32, #tpu.memory_space<vmem>>) target_semaphore(%arg9 : memref<!tpu.dma_semaphore, #tpu.memory_space<semaphore_mem>>)
    %add3A_384 = arith.constant 6291456 : i32
    %add3A_385 = arith.addi %add3A_384, %mul3A_2 : i32
    %add3A_386 = arith.constant 32768 : i32
    %add3A_387 = arith.addi %add3A_385, %add3A_386 : i32
    %dma_wait3A_388 = tpu.memref_slice %arg2[%add3A_387] : memref<8388608xf32, #tpu.memory_space<hbm>> -> memref<16384xf32, #tpu.memory_space<hbm>>
    %dma_wait3A_389 = tpu.memref_slice %arg2[%add3A_387] : memref<8388608xf32, #tpu.memory_space<hbm>> -> memref<16384xf32, #tpu.memory_space<hbm>>
    tpu.wait_dma2 semaphore(%arg11 : memref<!tpu.dma_semaphore, #tpu.memory_space<semaphore_mem>>) src(%dma_wait3A_389 : memref<16384xf32, #tpu.memory_space<hbm>>) dst(%arg8 : memref<16384xf32, #tpu.memory_space<vmem>>)
    %parallel_loop3A_390 = arith.constant 0 : i32
    %parallel_loop3A_391 = arith.constant 16384 : i32
    %parallel_loop3A_392 = arith.constant 16 : i32
    scf.for %parallel_loop3A_426 = %parallel_loop3A_390 to %parallel_loop3A_391 step %parallel_loop3A_392  : i32 {
      %parallel_loop3A_427 = arith.constant 32768 : i32
      %parallel_loop3A_428 = arith.addi %parallel_loop3A_427, %parallel_loop3A_426 : i32
      %parallel_loop3A_429 = arith.index_cast %parallel_loop3A_428 : i32 to index
      %parallel_loop3A_430 = tpu.vector_load %arg5[%parallel_loop3A_429] {strides = array<i32>} : memref<65536xf32, #tpu.memory_space<vmem>>, vector<16xf32>,
      %parallel_loop3A_431 = vector.shape_cast %parallel_loop3A_430 : vector<16xf32> to vector<16xf32>
      %parallel_loop3A_432 = arith.index_cast %parallel_loop3A_426 : i32 to index
      %parallel_loop3A_433 = tpu.vector_load %arg8[%parallel_loop3A_432] {strides = array<i32>} : memref<16384xf32, #tpu.memory_space<vmem>>, vector<16xf32>,
      %parallel_loop3A_434 = vector.shape_cast %parallel_loop3A_433 : vector<16xf32> to vector<16xf32>
      %parallel_loop3A_435 = vector.shape_cast %parallel_loop3A_431 : vector<16xf32> to vector<16xf32>
      tpu.vector_store %arg8[%parallel_loop3A_432], %parallel_loop3A_435 {add = true, strides = array<i32>} : memref<16384xf32, #tpu.memory_space<vmem>>, vector<16xf32>,
    } {sc.loop_unroll_factor = 16 : i64, sc.parallel_access}
    %add3A_393 = arith.constant 6291456 : i32
    %add3A_394 = arith.addi %add3A_393, %mul3A_2 : i32
    %add3A_395 = arith.constant 32768 : i32
    %add3A_396 = arith.addi %add3A_394, %add3A_395 : i32
    %dma_start3A_397 = tpu.memref_slice %arg4[%add3A_396] : memref<8388608xf32, #tpu.memory_space<hbm>> -> memref<16384xf32, #tpu.memory_space<hbm>>
    %dma_start3A_398 = tpu.memref_slice %arg4[%add3A_396] : memref<8388608xf32, #tpu.memory_space<hbm>> -> memref<16384xf32, #tpu.memory_space<hbm>>
    tpu.enqueue_dma source(%arg8 : memref<16384xf32, #tpu.memory_space<vmem>>) target(%dma_start3A_398 : memref<16384xf32, #tpu.memory_space<hbm>>) target_semaphore(%arg14 : memref<!tpu.dma_semaphore, #tpu.memory_space<semaphore_mem>>)
    %add3A_399 = arith.constant 6291456 : i32
    %add3A_400 = arith.addi %add3A_399, %mul3A_2 : i32
    %add3A_401 = arith.constant 49152 : i32
    %add3A_402 = arith.addi %add3A_400, %add3A_401 : i32
    %dma_wait3A_403 = tpu.memref_slice %arg2[%add3A_402] : memref<8388608xf32, #tpu.memory_space<hbm>> -> memref<16384xf32, #tpu.memory_space<hbm>>
    %dma_wait3A_404 = tpu.memref_slice %arg2[%add3A_402] : memref<8388608xf32, #tpu.memory_space<hbm>> -> memref<16384xf32, #tpu.memory_space<hbm>>
    tpu.wait_dma2 semaphore(%arg9 : memref<!tpu.dma_semaphore, #tpu.memory_space<semaphore_mem>>) src(%dma_wait3A_404 : memref<16384xf32, #tpu.memory_space<hbm>>) dst(%arg6 : memref<16384xf32, #tpu.memory_space<vmem>>)
    %parallel_loop3A_405 = arith.constant 0 : i32
    %parallel_loop3A_406 = arith.constant 16384 : i32
    %parallel_loop3A_407 = arith.constant 16 : i32
    scf.for %parallel_loop3A_426 = %parallel_loop3A_405 to %parallel_loop3A_406 step %parallel_loop3A_407  : i32 {
      %parallel_loop3A_427 = arith.constant 49152 : i32
      %parallel_loop3A_428 = arith.addi %parallel_loop3A_427, %parallel_loop3A_426 : i32
      %parallel_loop3A_429 = arith.index_cast %parallel_loop3A_428 : i32 to index
      %parallel_loop3A_430 = tpu.vector_load %arg5[%parallel_loop3A_429] {strides = array<i32>} : memref<65536xf32, #tpu.memory_space<vmem>>, vector<16xf32>,
      %parallel_loop3A_431 = vector.shape_cast %parallel_loop3A_430 : vector<16xf32> to vector<16xf32>
      %parallel_loop3A_432 = arith.index_cast %parallel_loop3A_426 : i32 to index
      %parallel_loop3A_433 = tpu.vector_load %arg6[%parallel_loop3A_432] {strides = array<i32>} : memref<16384xf32, #tpu.memory_space<vmem>>, vector<16xf32>,
      %parallel_loop3A_434 = vector.shape_cast %parallel_loop3A_433 : vector<16xf32> to vector<16xf32>
      %parallel_loop3A_435 = vector.shape_cast %parallel_loop3A_431 : vector<16xf32> to vector<16xf32>
      tpu.vector_store %arg6[%parallel_loop3A_432], %parallel_loop3A_435 {add = true, strides = array<i32>} : memref<16384xf32, #tpu.memory_space<vmem>>, vector<16xf32>,
    } {sc.loop_unroll_factor = 16 : i64, sc.parallel_access}
    %add3A_408 = arith.constant 6291456 : i32
    %add3A_409 = arith.addi %add3A_408, %mul3A_2 : i32
    %add3A_410 = arith.constant 49152 : i32
    %add3A_411 = arith.addi %add3A_409, %add3A_410 : i32
    %dma_start3A_412 = tpu.memref_slice %arg4[%add3A_411] : memref<8388608xf32, #tpu.memory_space<hbm>> -> memref<16384xf32, #tpu.memory_space<hbm>>
    %dma_start3A_413 = tpu.memref_slice %arg4[%add3A_411] : memref<8388608xf32, #tpu.memory_space<hbm>> -> memref<16384xf32, #tpu.memory_space<hbm>>
    tpu.enqueue_dma source(%arg6 : memref<16384xf32, #tpu.memory_space<vmem>>) target(%dma_start3A_413 : memref<16384xf32, #tpu.memory_space<hbm>>) target_semaphore(%arg12 : memref<!tpu.dma_semaphore, #tpu.memory_space<semaphore_mem>>)
    %add3A_414 = arith.constant 6291456 : i32
    %add3A_415 = arith.addi %add3A_414, %mul3A_2 : i32
    %add3A_416 = arith.constant 32768 : i32
    %add3A_417 = arith.addi %add3A_415, %add3A_416 : i32
    %dma_wait3A_418 = tpu.memref_slice %arg4[%add3A_417] : memref<8388608xf32, #tpu.memory_space<hbm>> -> memref<16384xf32, #tpu.memory_space<hbm>>
    %dma_wait3A_419 = tpu.memref_slice %arg4[%add3A_417] : memref<8388608xf32, #tpu.memory_space<hbm>> -> memref<16384xf32, #tpu.memory_space<hbm>>
    tpu.wait_dma2 semaphore(%arg14 : memref<!tpu.dma_semaphore, #tpu.memory_space<semaphore_mem>>) src(%arg8 : memref<16384xf32, #tpu.memory_space<vmem>>) dst(%dma_wait3A_419 : memref<16384xf32, #tpu.memory_space<hbm>>)
    %add3A_420 = arith.constant 6291456 : i32
    %add3A_421 = arith.addi %add3A_420, %mul3A_2 : i32
    %add3A_422 = arith.constant 49152 : i32
    %add3A_423 = arith.addi %add3A_421, %add3A_422 : i32
    %dma_wait3A_424 = tpu.memref_slice %arg4[%add3A_423] : memref<8388608xf32, #tpu.memory_space<hbm>> -> memref<16384xf32, #tpu.memory_space<hbm>>
    %dma_wait3A_425 = tpu.memref_slice %arg4[%add3A_423] : memref<8388608xf32, #tpu.memory_space<hbm>> -> memref<16384xf32, #tpu.memory_space<hbm>>
    tpu.wait_dma2 semaphore(%arg12 : memref<!tpu.dma_semaphore, #tpu.memory_space<semaphore_mem>>) src(%arg6 : memref<16384xf32, #tpu.memory_space<vmem>>) dst(%dma_wait3A_425 : memref<16384xf32, #tpu.memory_space<hbm>>)
    return
  }
}

</mosaic_0001>

<sc_bundles>
// kernel: kernel.3.cloned.1.call-start
scs
__scs_entry_jumppad:
0x0: {  	(pc) =	sbr.rel $0x88, $3  }
0x1: {  	(tag) =	ssettag $0x0;
	lr =	simm.s32 $0x1  }
0x2: {  	[smem:$0x3F9F] =	sst lr;
	_ =	strace $0xD0000000  }
0x3: {  	_ = 	snop  }
0x4: {  	_ = 	snop  }
0x5: {  	_ = 	snop  }
0x6: {  	_ = 	snop  }
0x7: {  	_ = 	snop  }
__scs_overlays_trampoline_lowered:
0x8: {  	[smem:$0x3FAE] =	sst s0  }
0x9: {  	[smem:$0x3FAF] =	sst s1  }
0xa: {  	[smem:$0x3FB0] =	sst s2  }
0xb: {  	[smem:$0x3FB1] =	sst s3  }
0xc: {  	[smem:$0x3FB2] =	sst s4  }
0xd: {  	[smem:$0x3FB3] =	sst s5  }
0xe: {  	[smem:$0x3FB4] =	sst s6  }
0xf: {  	[smem:$0x3FB5] =	sst s7  }
0x10: {  	[smem:$0x3FB6] =	sst s8  }
0x11: {  	[smem:$0x3FB7] =	sst s9;
	s0 =	simm.s32 @!p0 $0x0  }
0x12: {  	s1 =	sld [smem:$0x3F9D];
	s0 =	simm.s32 @p0 $0x1  }
0x13: {  	[smem:$0x3FB8] =	sst s0;
	s0 =	simm.s32 @!p1 $0x0  }
0x14: {  	s2 =	sld [smem:$0x3F9C];
	s0 =	simm.s32 @p1 $0x1  }
0x15: {  	[smem:$0x3FB9] =	sst s0;
	s0 =	simm.s32 @!p2 $0x0  }
0x16: {  	s3 =	sld [smem:$0x3FDB];
	s0 =	simm.s32 @p2 $0x1  }
0x17: {  	s4 =	simm.s32 $0x1BF5;
	[smem:$0x3FBB] =	sst s0  }
0x18: {  	s0 =	sld [smem:$0x3F9E];
	_ =	swait.ge [sflag:s4], $0x0  }
0x19: {  	s7 =	sld [smem:$0x3F9F]  }
0x1a: {  	s8 =	sadd.s32 $0xFFFFE003, lr  }
0x1b: {  	s9 =	sadd.s32 $0xFFFFFEF7, lr;
	s5 =	simm.s32 $0xFFFFFFFF;
	p2 =	slt.u32 s8, $0xFFFFF086  }
0x1c: {  	p1 =	slt.u32 s9, $0xF7A;
	s5 =	simm.s32 @!p2 $0x0  }
0x1d: {  	s5 =	simm.s32 @p1 $0x1;
	p0 =	seq.s32 s7, s2  }
0x1e: {  	s7 =	smul.u32 @!p0 $0xF7A, s2;
	p2 =	seq.s32 @!p0 s5, $0x0  }
0x1f: {  	s9 =	smul.u32 $0xF7A, s1;
	s8 =	simm.s32 @!p0 $0x1BF5;
	p2 =	por !p2, p0  }
0x20: {  	[sflag:s8] =	ssyncset.s32 @!p0 $0xFFFFF086;
	s6 =	sadd.s32 @!p0 s3, s7;
	s7 =	simm.s32 @!p0 $0x108  }
0x21: {  	s3 =	sadd.s32 s3, s9;
	s6 =	sadd.s32 @!p0 $0x88, s6;
	s7 =	simm.s32 @p2 $0x1082  }
0x22: {  	[simem:s7], [sflag:s8] =	dma.local @!p0 [hbm:s6], $0xF7A  }
0x23: {  	s9 =	sor.u32 $0xD0000000, s2;
	s6 =	simm.s32 $0x108;
	_ =	swait.ge @!p0 [sflag:s8], $0x0  }
0x24: {  	s3 =	sadd.s32 $0x88, s3;
	s6 =	simm.s32 @!p1 $0x1082;
	[sflag:s4] =	ssyncset.s32 $0xFFFFF086  }
0x25: {  	[simem:s6], [sflag:s4] =	dma.local [hbm:s3], $0xF7A  }
0x26: {  	[smem:$0x3F9F] =	sst s1;
	(tag) =	ssettag s2;
	_ =	strace s9  }
0x27: {  	s1 =	sld [smem:$0x3FAF]  }
0x28: {  	s2 =	sld [smem:$0x3FB0]  }
0x29: {  	s4 =	sld [smem:$0x3FB2]  }
0x2a: {  	p0 =	seq.s32 s5, $0x0;
	s5 =	sld [smem:$0x3FB3]  }
0x2b: {  	s6 =	sld [smem:$0x3FB4]  }
0x2c: {  	s7 =	sld [smem:$0x3FB5]  }
0x2d: {  	s3 =	simm.s32 $0x108;
	s8 =	sld [smem:$0x3FB6]  }
0x2e: {  	s3 =	simm.s32 @!p0 $0x1082;
	s9 =	sld [smem:$0x3FB7]  }
0x2f: {  	lr =	sadd.s32 s0, s3;
	s0 =	sld [smem:$0x3FAE]  }
0x30: {  	s3 =	sld [smem:$0x3FB1]  }
0x31: {  	[smem:$0x3FBA] =	sst s10  }
0x32: {  	s10 =	sld [smem:$0x3FB8];
	_ =	sdelay $0x3  }
0x33: {  	p0 =	seq.s32 s10, $0x1;
	s10 =	sld [smem:$0x3FBA];
	_ =	sdelay $0x3  }
0x34: {  	[smem:$0x3FBA] =	sst s10  }
0x35: {  	s10 =	sld [smem:$0x3FB9];
	_ =	sdelay $0x3  }
0x36: {  	p1 =	seq.s32 s10, $0x1;
	s10 =	sld [smem:$0x3FBA];
	_ =	sdelay $0x3  }
0x37: {  	[smem:$0x3FBA] =	sst s10  }
0x38: {  	s10 =	sld [smem:$0x3FBB]  }
0x39: {  	_ = 	snop;
	(pc) =	sbr.ind lr, $3  }
0x3a: {  	_ = 	snop  }
0x3b: {  	_ = 	snop  }
0x3c: {  	p2 =	seq.s32 s10, $0x1;
	s10 =	sld [smem:$0x3FBA]  }
0x3d: {  	_ =	shalt  }
0x3e: {  	_ =	shalt  }
0x3f: {  	_ =	shalt  }
0x40: {  	_ =	shalt  }
0x41: {  	_ =	shalt  }
0x42: {  	_ =	shalt  }
0x43: {  	_ =	shalt  }
0x44: {  	_ =	shalt  }
0x45: {  	_ =	shalt  }
0x46: {  	_ =	shalt  }
0x47: {  	_ =	shalt  }
0x48: {  	_ =	shalt  }
0x49: {  	_ =	shalt  }
0x4a: {  	_ =	shalt  }
0x4b: {  	_ =	shalt  }
0x4c: {  	_ =	shalt  }
0x4d: {  	_ =	shalt  }
0x4e: {  	_ =	shalt  }
0x4f: {  	_ =	shalt  }
0x50: {  	_ =	shalt  }
0x51: {  	_ =	shalt  }
0x52: {  	_ =	shalt  }
0x53: {  	_ =	shalt  }
0x54: {  	_ =	shalt  }
0x55: {  	_ =	shalt  }
0x56: {  	_ =	shalt  }
0x57: {  	_ =	shalt  }
0x58: {  	_ =	shalt  }
0x59: {  	_ =	shalt  }
0x5a: {  	_ =	shalt  }
0x5b: {  	_ =	shalt  }
0x5c: {  	_ =	shalt  }
0x5d: {  	_ =	shalt  }
0x5e: {  	_ =	shalt  }
0x5f: {  	_ =	shalt  }
0x60: {  	_ =	shalt  }
0x61: {  	_ =	shalt  }
0x62: {  	_ =	shalt  }
0x63: {  	_ =	shalt  }
0x64: {  	_ =	shalt  }
0x65: {  	_ =	shalt  }
0x66: {  	_ =	shalt  }
0x67: {  	_ =	shalt  }
0x68: {  	_ =	shalt  }
0x69: {  	_ =	shalt  }
0x6a: {  	_ =	shalt  }
0x6b: {  	_ =	shalt  }
0x6c: {  	_ =	shalt  }
0x6d: {  	_ =	shalt  }
0x6e: {  	_ =	shalt  }
0x6f: {  	_ =	shalt  }
0x70: {  	_ =	shalt  }
0x71: {  	_ =	shalt  }
0x72: {  	_ =	shalt  }
0x73: {  	_ =	shalt  }
0x74: {  	_ =	shalt  }
0x75: {  	_ =	shalt  }
0x76: {  	_ =	shalt  }
0x77: {  	_ =	shalt  }
0x78: {  	_ =	shalt  }
0x79: {  	_ =	shalt  }
0x7a: {  	_ =	shalt  }
0x7b: {  	_ =	shalt  }
0x7c: {  	_ =	shalt  }
0x7d: {  	_ =	shalt  }
0x7e: {  	_ =	shalt  }
0x7f: {  	_ =	shalt  }
0x80: {  	_ =	shalt  }
0x81: {  	_ =	shalt  }
0x82: {  	_ =	shalt  }
0x83: {  	_ =	shalt  }
0x84: {  	_ =	shalt  }
0x85: {  	_ =	shalt  }
0x86: {  	_ =	shalt  }
0x87: {  	_ =	shalt  }
.Lfunc_end0:
.L_simem_size_0:
called_computation.1_lowered:
.L_overlay_start_0:
0x88: {  	s2 =	sld [smem:$0x3FD9]  }
0x89: {  	s3 =	sld [smem:$0x3FFE];
	_ =	sdelay $0x1  }
0x8a: {  	s1 =	srdreg.scid  }
0x8b: {  	s0 =	sand.u32 $0x1, s1  }
0x8c: {  	s17 =	sshll.u32 s0, $0xA;
	s2 =	sadd.s32 s3, s2  }
0x8d: {  	s2 =	sadd.s32 s2, s17  }
0x8e: {  	[smem:$0x3FC6] =	sst s2  }
0x8f: {  	_ = 	snop  }
0x90: {  	s2 =	sld [smem:$0x3FD0];
	(tm) =	ssettm $0x1  }
0x91: {  	s18 =	sld [smem:$0x3FFB];
	_ =	sdelay $0x3  }
0x92: {  	_ =	strace s18  }
0x93: {  	s3 =	sld [smem:$0x3FFC];
	_ =	sdelay $0x3  }
0x94: {  	_ =	strace s3  }
0x95: {  	s3 =	sld [smem:$0x3FFD];
	_ =	sdelay $0x3  }
0x96: {  	_ =	strace s3  }
0x97: {  	_ =	strace $0x8FFFFFFF  }
0x98: {  	s19 =	sld [smem:$0x3FDB];
	_ =	sdelay $0x1  }
0x99: {  	s4 =	simm.s32 $_scs_section_size  }
0x9a: {  	s5 =	simm.s32 $_size__tile_overlayer_lowered;
	s6 =	simm.s32 $_tile_overlayer_lowered  }
0x9b: {  	s22 =	simm.s32 $0x1BFF;
	s21 =	sshll.u32 s6, $0x1;
	s3 =	sadd.s32 s4, s19  }
0x9c: {  	s7 =	simm.s32 $0x0;
	s20 =	sshll.u32 s5, $0x1;
	s5 =	sadd.s32 s21, s3  }
0x9d: {  	[timem:s7], [sflag:s22] =	dma.local [hbm:s5], s20  }
0x9e: {  	_ =	swait.ge [sflag:s22], s20  }
0x9f: {  	s4 =	ssub.s32 $0x0, s20;
	[sflag:s22] =	ssyncset.done $0x0  }
0xa0: {  	[sflag:s22] =	ssyncadd.s32 s4;
	_ =	sdelay $0x1  }
0xa1: {  	s23 =	simm.s32 $0x1B8B  }
0xa2: {  	_ =	swait.ge [sflag:s23], $0x1  }
0xa3: {  	[sflag:s23] =	ssyncset.done $0x0  }
0xa4: {  	s25 =	simm.s32 $0x1B8E;
	s24 =	sld [smem:$0x3FFE];
	[sflag:s23] =	ssyncadd.s32 $0xFFFFFFFF  }
0xa5: {  	s26 =	simm.s32 $execute0_lowered;
	[smem:$0x3FD2] =	sst s25  }
0xa6: {  	s5 =	sshll.u32 s26, $0x1;
	_ =	strace $0x80000049;
	[dreg:$0x1] =	wrdreg $0xFFFFFFFF  }
0xa7: {  	s28 =	simm.s32 $_size_execute0_lowered;
	s3 =	sadd.s32 s3, s5;
	[dreg:$0x0] =	wrdreg $0x0  }
0xa8: {  	s5 =	sshll.u32 s28, $0x1;
	[dreg:$0x2] =	wrdreg s3  }
0xa9: {  	[dreg:$0x3] =	wrdreg s5  }
0xaa: {  	[dreg:$0x4] =	wrdreg $0xC0  }
0xab: {  	_ =	task [dreg:s7], $0x5FFFF  }
0xac: {  	[dreg:$0x1] =	wrdreg $0xFFFFFFFF  }
0xad: {  	[dreg:$0x0] =	wrdreg $0x60  }
0xae: {  	[dreg:$0x2] =	wrdreg s2  }
0xaf: {  	[dreg:$0x3] =	wrdreg s24  }
0xb0: {  	[dreg:$0x4] =	wrdreg $0x9  }
0xb1: {  	_ =	task.clear_ibuf [dreg:s7], $0x5FFFF;
	_ =	strace $0x90000049  }
0xb2: {  	s29 =	simm.s32 $0x9;
	_ =	strace $0x8000004B  }
0xb3: {  	_ =	swait.ge [sflag:s29], $0x1  }
0xb4: {  	[sflag:s29] =	ssyncadd.s32 $0xFFFFFFFF  }
0xb5: {  	_ =	strace $0x9000004B  }
0xb6: {  	_ =	sfence  }
0xb7: {  	s30 =	sld [smem:$0x0];
	_ =	sdelay $0x2  }
0xb8: {  	s31 =	sshll.u32 s1, $0xD;
	s1 =	sshrl.u32 s1, $0x2  }
0xb9: {  	s3 =	sand.u32 $0x4000, s31;
	s1 =	sadd.s32 s1, s30  }
0xba: {  	s0 =	sor.u32 s3, s0;
	s1 =	sshll.u32 s1, $0x11  }
0xbb: {  	s0 =	sor.u32 s1, s0  }
0xbc: {  	s0 =	sadd.s32 $0x8F2B, s0  }
0xbd: {  	[sflag:s0] =	ssyncadd.remote.s32 $0x1  }
0xbe: {  	_ =	sfence.sel $0xFFFF  }
0xbf: {  	[dreg:$0x0] =	wrdreg $0xFFFFFFFF;
	(pc) =	sbr.abs _section_cstart, $3  }
0xc0: {  	[dreg:$0x1] =	wrdreg $0xFFFFFFFF  }
0xc1: {  	_ =	task.clear_ibuf [dreg:s7], $0x2FFFF;
	_ =	strace $0x9FFFFFFF  }
0xc2: {  	(tm) =	ssettm $0x7FFFFFFF  }
0xc3: {  	_ =	shalt  }
tec
execute0_lowered:
.L_overlay_start_1:
0x0: {  	(tag) =	ssettag $0x1  }
0x1: {  	s0 =	rddreg [dreg:$0x0];
	s1 =	srdreg.scid  }
0x2: {  	s2 =	rddreg [dreg:$0x1];
	s4 =	stileid.u32  }
0x3: {  	s3 =	sand.u32 $0x1, s1;
	s1 =	simm.s32 $0x0;
	s4 =	sshll.u32 s4, $0xE  }
0x4: {  	s6 =	sadd.s32 $0x40A00, s2;
	s5 =	sshll.u32 s3, $0xD;
	s3 =	ssub.s32 $0x2, s3  }
0x5: {  	[smem:$0x7FF] =	sst s1;
	s4 =	sor.u32 s5, s4;
	s12 =	sshrl.u32 s3, $0x1  }
0x6: {  	s5 =	sadd.s32 s4, s2;
	s7 =	ssub.s32 s3, s12;
	s13 =	sor.u32 $0x800, s4  }
0x7: {  	s14 =	sor.u32 $0x1000, s4;
	s16 =	sor.u32 $0x1800, s4;
	s8 =	sadd.s32 s0, s13  }
0x8: {  	s18 =	sor.u32 $0x40000, s4;
	s15 =	sadd.s32 s0, s14;
	[dreg:$0x3] =	wrdreg s8  }
0x9: {  	s20 =	sor.u32 $0x40800, s4;
	s2 =	sadd.s32 s6, s13;
	[dreg:$0x4] =	wrdreg s15  }
0xa: {  	s22 =	sor.u32 $0x41000, s4;
	s17 =	sadd.s32 s0, s16;
	[dreg:$0x5] =	wrdreg s2  }
0xb: {  	s24 =	sor.u32 $0x41800, s4;
	s3 =	sadd.s32 s6, s14;
	[dreg:$0x6] =	wrdreg s17  }
0xc: {  	s26 =	sor.u32 $0x80000, s4;
	s19 =	sadd.s32 s0, s18;
	[dreg:$0x7] =	wrdreg s3  }
0xd: {  	s10 =	sor.u32 $0x80800, s4;
	s21 =	sadd.s32 s0, s20;
	[dreg:$0x8] =	wrdreg s19  }
0xe: {  	s29 =	sadd.s32 s0, s4;
	s23 =	sadd.s32 s0, s22;
	[dreg:$0xa] =	wrdreg s21  }
0xf: {  	s31 =	sadd.s32 s6, s4;
	s25 =	sadd.s32 s0, s24;
	[dreg:$0xc] =	wrdreg s23  }
0x10: {  	s9 =	sadd.s32 s0, s26;
	s11 =	sadd.s32 s0, s10;
	[dreg:$0xe] =	wrdreg s25  }
0x11: {  	s12 =	sadd.s32 s6, s26;
	s13 =	sor.u32 $0x81000, s4;
	[dreg:$0x10] =	wrdreg s9  }
0x12: {  	s14 =	sadd.s32 s6, s10;
	s10 =	simm.s32 $0x18000;
	[dreg:$0x12] =	wrdreg s11  }
0x13: {  	s8 =	sadd.s32 s6, s16;
	s2 =	sadd.s32 s6, s18;
	[dreg:$0x13] =	wrdreg s12  }
0x14: {  	s3 =	sadd.s32 s6, s20;
	[dreg:$0x14] =	wrdreg s14;
	s15 =	sor.u32 $0x81800, s4  }
0x15: {  	s20 =	sadd.s32 s0, s13;
	s21 =	sadd.s32 s6, s13;
	s16 =	sor.u32 $0xC0000, s4  }
0x16: {  	s17 =	sor.u32 $0xC0800, s4;
	s18 =	sor.u32 $0xC1000, s4;
	s19 =	sor.u32 $0xC1800, s4  }
0x17: {  	s4 =	sadd.s32 $0xA00, s5;
	s5 =	smax.u32 s7, $0x1;
	s7 =	simm.s32 $0x10000  }
0x18: {  	s9 =	simm.s32 $0x1;
	s11 =	simm.s32 $0x2;
	[dreg:$0x9] =	wrdreg s8  }
0x19: {  	s12 =	simm.s32 $0x4;
	s13 =	simm.s32 $0x3;
	[dreg:$0xb] =	wrdreg s2  }
0x1a: {  	s14 =	simm.s32 $0x5;
	[dreg:$0xd] =	wrdreg s3;
	s8 =	sadd.s32 s6, s22  }
0x1b: {  	s2 =	sadd.s32 s6, s24;
	s22 =	sadd.s32 s0, s15;
	s23 =	sadd.s32 s6, s15  }
0x1c: {  	s24 =	sadd.s32 s0, s16;
	s25 =	sadd.s32 s6, s16;
	s26 =	sadd.s32 s0, s17  }
0x1d: {  	s28 =	sadd.s32 s6, s17;
	s30 =	sadd.s32 s0, s18;
	s0 =	sadd.s32 s0, s19  }
0x1e: {  	s3 =	sadd.s32 s6, s19;
	s15 =	simm.s32 $0x6;
	[dreg:$0xf] =	wrdreg s8  }
0x1f: {  	s16 =	simm.s32 $0x0;
	[dreg:$0x11] =	wrdreg s2;
	s2 =	sadd.s32 s6, s18  }
0x20: {  	s6 =	simm.s32 $0x7;
	s8 =	simm.s32 $0x14000;
	_ =	strace $0x8000004A  }
.LBB2_1:
0x21: {  	[tilespmem:s1], [sflag:$0x7] =	stream.linear.gather [hbm4b:s4+s1], $0x10000, $0x38;
	[tilespmem:$0x1C000] =	vst v63  }
0x22: {  	_ =	swait.ge [sflag:s6], $0x10000  }
0x23: {  	[sflag:s6] =	ssyncset.done $0x0  }
0x24: {  	[sflag:s6] =	ssyncadd.s32 $0xFFFF0000  }
0x25: {  	[tilespmem:s7], [sflag:$0x1] =	stream.linear.gather [hbm4b:s29+s1], $0x4000, $0x38;
	[tilespmem:$0x1C000] =	vst v63  }
0x26: {  	s17 =	rddreg [dreg:$0x3]  }
0x27: {  	[tilespmem:s8], [sflag:$0x2] =	stream.linear.gather [hbm4b:s17+s1], $0x4000, $0x38;
	[tilespmem:$0x1C000] =	vst v63  }
0x28: {  	_ =	swait.ge [sflag:s9], $0x4000  }
0x29: {  	[sflag:s9] =	ssyncset.done $0x0  }
0x2a: {  	s17 =	simm.s32 $0x0;
	[sflag:s9] =	ssyncadd.s32 $0xFFFFC000  }
0x2b: {  	v0 =	vld [tilespmem:s17+$0xF0]  }
0x2c: {  	v1 =	vld [tilespmem:s17+$0x0]  }
0x2d: {  	v2 =	vld [tilespmem:s17+$0x10]  }
0x2e: {  	v3 =	vld [tilespmem:s17+$0x20]  }
0x2f: {  	v4 =	vld [tilespmem:s17+$0x30]  }
0x30: {  	v5 =	vld [tilespmem:s17+$0x40]  }
0x31: {  	v6 =	vld [tilespmem:s17+$0x50]  }
0x32: {  	v7 =	vld [tilespmem:s17+$0x60]  }
0x33: {  	v8 =	vld [tilespmem:s17+$0x70]  }
0x34: {  	v9 =	vld [tilespmem:s17+$0x80]  }
0x35: {  	v10 =	vld [tilespmem:s17+$0x90]  }
0x36: {  	v11 =	vld [tilespmem:s17+$0xA0]  }
0x37: {  	v12 =	vld [tilespmem:s17+$0xB0]  }
0x38: {  	v13 =	vld [tilespmem:s17+$0xC0]  }
0x39: {  	v14 =	vld [tilespmem:s17+$0xD0]  }
0x3a: {  	[tilespmem:s17+$0x100F0] =	vst.add.f32.msk $0xffff, v0  }
0x3b: {  	v0 =	vld [tilespmem:s17+$0xE0]  }
0x3c: {  	[tilespmem:s17+$0x10000] =	vst.add.f32.msk $0xffff, v1  }
0x3d: {  	[tilespmem:s17+$0x10010] =	vst.add.f32.msk $0xffff, v2  }
0x3e: {  	[tilespmem:s17+$0x10020] =	vst.add.f32.msk $0xffff, v3  }
0x3f: {  	[tilespmem:s17+$0x10030] =	vst.add.f32.msk $0xffff, v4  }
0x40: {  	[tilespmem:s17+$0x10040] =	vst.add.f32.msk $0xffff, v5  }
0x41: {  	[tilespmem:s17+$0x10050] =	vst.add.f32.msk $0xffff, v6  }
0x42: {  	[tilespmem:s17+$0x10060] =	vst.add.f32.msk $0xffff, v7  }
0x43: {  	[tilespmem:s17+$0x10070] =	vst.add.f32.msk $0xffff, v8  }
0x44: {  	[tilespmem:s17+$0x10080] =	vst.add.f32.msk $0xffff, v9  }
0x45: {  	[tilespmem:s17+$0x10090] =	vst.add.f32.msk $0xffff, v10  }
0x46: {  	[tilespmem:s17+$0x100A0] =	vst.add.f32.msk $0xffff, v11  }
0x47: {  	[tilespmem:s17+$0x100B0] =	vst.add.f32.msk $0xffff, v12  }
0x48: {  	[tilespmem:s17+$0x100C0] =	vst.add.f32.msk $0xffff, v13  }
0x49: {  	s18 =	simm.s32 $0x0;
	s19 =	simm.s32 $0x400;
	[tilespmem:s17+$0x100D0] =	vst.add.f32.msk $0xffff, v14  }
.LBB2_2:
0x4a: {  	s18 =	sadd.s32 $0x100, s18;
	[tilespmem:s17+$0x100E0] =	vst.add.f32.msk $0xffff, v0;
	s17 =	sshra.s32 s19, $0x2  }
0x4b: {  	v0 =	vld [tilespmem:s17+$0xF0];
	p0 =	slt.u32 s18, $0x3F00  }
0x4c: {  	v1 =	vld [tilespmem:s17+$0x0]  }
0x4d: {  	v2 =	vld [tilespmem:s17+$0x10]  }
0x4e: {  	v3 =	vld [tilespmem:s17+$0x20]  }
0x4f: {  	v4 =	vld [tilespmem:s17+$0x30]  }
0x50: {  	[tilespmem:s17+$0x100F0] =	vst.add.f32.msk $0xffff, v0  }
0x51: {  	v5 =	vld [tilespmem:s17+$0x40]  }
0x52: {  	v6 =	vld [tilespmem:s17+$0x50]  }
0x53: {  	v7 =	vld [tilespmem:s17+$0x60]  }
0x54: {  	v8 =	vld [tilespmem:s17+$0x70]  }
0x55: {  	v9 =	vld [tilespmem:s17+$0x80]  }
0x56: {  	v10 =	vld [tilespmem:s17+$0x90]  }
0x57: {  	v11 =	vld [tilespmem:s17+$0xA0]  }
0x58: {  	v12 =	vld [tilespmem:s17+$0xB0]  }
0x59: {  	v13 =	vld [tilespmem:s17+$0xC0]  }
0x5a: {  	v14 =	vld [tilespmem:s17+$0xD0]  }
0x5b: {  	v0 =	vld [tilespmem:s17+$0xE0]  }
0x5c: {  	[tilespmem:s17+$0x10000] =	vst.add.f32.msk $0xffff, v1  }
0x5d: {  	[tilespmem:s17+$0x10010] =	vst.add.f32.msk $0xffff, v2  }
0x5e: {  	[tilespmem:s17+$0x10020] =	vst.add.f32.msk $0xffff, v3  }
0x5f: {  	[tilespmem:s17+$0x10030] =	vst.add.f32.msk $0xffff, v4  }
0x60: {  	[tilespmem:s17+$0x10040] =	vst.add.f32.msk $0xffff, v5  }
0x61: {  	[tilespmem:s17+$0x10050] =	vst.add.f32.msk $0xffff, v6  }
0x62: {  	[tilespmem:s17+$0x10060] =	vst.add.f32.msk $0xffff, v7  }
0x63: {  	[tilespmem:s17+$0x10070] =	vst.add.f32.msk $0xffff, v8  }
0x64: {  	[tilespmem:s17+$0x10080] =	vst.add.f32.msk $0xffff, v9  }
.Ltmp0:
0x65: {  	[tilespmem:s17+$0x10090] =	vst.add.f32.msk $0xffff, v10;
	(pc) =	sbr.rel @p0 .LBB2_2-.Ltmp0, $4  }
0x66: {  	[tilespmem:s17+$0x100A0] =	vst.add.f32.msk $0xffff, v11  }
0x67: {  	[tilespmem:s17+$0x100B0] =	vst.add.f32.msk $0xffff, v12  }
0x68: {  	[tilespmem:s17+$0x100C0] =	vst.add.f32.msk $0xffff, v13  }
0x69: {  	s19 =	sadd.s32 $0x400, s19;
	[tilespmem:s17+$0x100D0] =	vst.add.f32.msk $0xffff, v14  }
0x6a: {  	[tilespmem:s17+$0x100E0] =	vst.add.f32.msk $0xffff, v0;
	s19 =	simm.s32 $0x0  }
0x6b: {  	[hbm4b:s31+s19] =	stream.linear.scatter [tilespmem:s7], [sflag:$0x4], $0x4000, $0x38;
	[tilespmem:$0x1C000] =	vst v63  }
0x6c: {  	s18 =	rddreg [dreg:$0x4]  }
0x6d: {  	[tilespmem:s10], [sflag:$0x3] =	stream.linear.gather [hbm4b:s18+s19], $0x4000, $0x38;
	[tilespmem:$0x1C000] =	vst v63  }
0x6e: {  	_ =	swait.ge [sflag:s11], $0x4000  }
0x6f: {  	[sflag:s11] =	ssyncset.done $0x0  }
0x70: {  	s17 =	simm.s32 $0x0;
	[sflag:s11] =	ssyncadd.s32 $0xFFFFC000  }
0x71: {  	v0 =	vld [tilespmem:s17+$0x40F0]  }
0x72: {  	v1 =	vld [tilespmem:s17+$0x4000]  }
0x73: {  	v2 =	vld [tilespmem:s17+$0x4010]  }
0x74: {  	v3 =	vld [tilespmem:s17+$0x4020]  }
0x75: {  	v4 =	vld [tilespmem:s17+$0x4030]  }
0x76: {  	v5 =	vld [tilespmem:s17+$0x4040]  }
0x77: {  	v6 =	vld [tilespmem:s17+$0x4050]  }
0x78: {  	v7 =	vld [tilespmem:s17+$0x4060]  }
0x79: {  	v8 =	vld [tilespmem:s17+$0x4070]  }
0x7a: {  	v9 =	vld [tilespmem:s17+$0x4080]  }
0x7b: {  	v10 =	vld [tilespmem:s17+$0x4090]  }
0x7c: {  	v11 =	vld [tilespmem:s17+$0x40A0]  }
0x7d: {  	v12 =	vld [tilespmem:s17+$0x40B0]  }
0x7e: {  	v13 =	vld [tilespmem:s17+$0x40C0]  }
0x7f: {  	v14 =	vld [tilespmem:s17+$0x40D0]  }
0x80: {  	[tilespmem:s17+$0x140F0] =	vst.add.f32.msk $0xffff, v0  }
0x81: {  	v0 =	vld [tilespmem:s17+$0x40E0]  }
0x82: {  	[tilespmem:s17+$0x14000] =	vst.add.f32.msk $0xffff, v1  }
0x83: {  	[tilespmem:s17+$0x14010] =	vst.add.f32.msk $0xffff, v2  }
0x84: {  	[tilespmem:s17+$0x14020] =	vst.add.f32.msk $0xffff, v3  }
0x85: {  	[tilespmem:s17+$0x14030] =	vst.add.f32.msk $0xffff, v4  }
0x86: {  	[tilespmem:s17+$0x14040] =	vst.add.f32.msk $0xffff, v5  }
0x87: {  	[tilespmem:s17+$0x14050] =	vst.add.f32.msk $0xffff, v6  }
0x88: {  	[tilespmem:s17+$0x14060] =	vst.add.f32.msk $0xffff, v7  }
0x89: {  	[tilespmem:s17+$0x14070] =	vst.add.f32.msk $0xffff, v8  }
0x8a: {  	[tilespmem:s17+$0x14080] =	vst.add.f32.msk $0xffff, v9  }
0x8b: {  	[tilespmem:s17+$0x14090] =	vst.add.f32.msk $0xffff, v10  }
0x8c: {  	[tilespmem:s17+$0x140A0] =	vst.add.f32.msk $0xffff, v11  }
0x8d: {  	[tilespmem:s17+$0x140B0] =	vst.add.f32.msk $0xffff, v12  }
0x8e: {  	[tilespmem:s17+$0x140C0] =	vst.add.f32.msk $0xffff, v13  }
0x8f: {  	s18 =	simm.s32 $0x0;
	s19 =	simm.s32 $0x400;
	[tilespmem:s17+$0x140D0] =	vst.add.f32.msk $0xffff, v14  }
.LBB2_4:
0x90: {  	s18 =	sadd.s32 $0x100, s18;
	[tilespmem:s17+$0x140E0] =	vst.add.f32.msk $0xffff, v0;
	s17 =	sshra.s32 s19, $0x2  }
0x91: {  	v0 =	vld [tilespmem:s17+$0x40F0];
	p0 =	slt.u32 s18, $0x3F00  }
0x92: {  	v1 =	vld [tilespmem:s17+$0x4000]  }
0x93: {  	v2 =	vld [tilespmem:s17+$0x4010]  }
0x94: {  	v3 =	vld [tilespmem:s17+$0x4020]  }
0x95: {  	v4 =	vld [tilespmem:s17+$0x4030]  }
0x96: {  	[tilespmem:s17+$0x140F0] =	vst.add.f32.msk $0xffff, v0  }
0x97: {  	v5 =	vld [tilespmem:s17+$0x4040]  }
0x98: {  	v6 =	vld [tilespmem:s17+$0x4050]  }
0x99: {  	v7 =	vld [tilespmem:s17+$0x4060]  }
0x9a: {  	v8 =	vld [tilespmem:s17+$0x4070]  }
0x9b: {  	v9 =	vld [tilespmem:s17+$0x4080]  }
0x9c: {  	v10 =	vld [tilespmem:s17+$0x4090]  }
0x9d: {  	v11 =	vld [tilespmem:s17+$0x40A0]  }
0x9e: {  	v12 =	vld [tilespmem:s17+$0x40B0]  }
0x9f: {  	v13 =	vld [tilespmem:s17+$0x40C0]  }
0xa0: {  	v14 =	vld [tilespmem:s17+$0x40D0]  }
0xa1: {  	v0 =	vld [tilespmem:s17+$0x40E0]  }
0xa2: {  	[tilespmem:s17+$0x14000] =	vst.add.f32.msk $0xffff, v1  }
0xa3: {  	[tilespmem:s17+$0x14010] =	vst.add.f32.msk $0xffff, v2  }
0xa4: {  	[tilespmem:s17+$0x14020] =	vst.add.f32.msk $0xffff, v3  }
0xa5: {  	[tilespmem:s17+$0x14030] =	vst.add.f32.msk $0xffff, v4  }
0xa6: {  	[tilespmem:s17+$0x14040] =	vst.add.f32.msk $0xffff, v5  }
0xa7: {  	[tilespmem:s17+$0x14050] =	vst.add.f32.msk $0xffff, v6  }
0xa8: {  	[tilespmem:s17+$0x14060] =	vst.add.f32.msk $0xffff, v7  }
0xa9: {  	[tilespmem:s17+$0x14070] =	vst.add.f32.msk $0xffff, v8  }
0xaa: {  	[tilespmem:s17+$0x14080] =	vst.add.f32.msk $0xffff, v9  }
.Ltmp1:
0xab: {  	[tilespmem:s17+$0x14090] =	vst.add.f32.msk $0xffff, v10;
	(pc) =	sbr.rel @p0 .LBB2_4-.Ltmp1, $4  }
0xac: {  	[tilespmem:s17+$0x140A0] =	vst.add.f32.msk $0xffff, v11  }
0xad: {  	[tilespmem:s17+$0x140B0] =	vst.add.f32.msk $0xffff, v12  }
0xae: {  	[tilespmem:s17+$0x140C0] =	vst.add.f32.msk $0xffff, v13  }
0xaf: {  	s19 =	sadd.s32 $0x400, s19;
	[tilespmem:s17+$0x140D0] =	vst.add.f32.msk $0xffff, v14  }
0xb0: {  	[tilespmem:s17+$0x140E0] =	vst.add.f32.msk $0xffff, v0  }
0xb1: {  	s17 =	simm.s32 $0x0;
	s18 =	rddreg [dreg:$0x5]  }
0xb2: {  	[hbm4b:s18+s17] =	stream.linear.scatter [tilespmem:s8], [sflag:$0x5], $0x4000, $0x38;
	[tilespmem:$0x1C000] =	vst v63  }
0xb3: {  	_ =	swait.ge [sflag:s12], $0x4000  }
0xb4: {  	[sflag:s12] =	ssyncset.done $0x0  }
0xb5: {  	s19 =	rddreg [dreg:$0x6];
	[sflag:s12] =	ssyncadd.s32 $0xFFFFC000  }
0xb6: {  	[tilespmem:s7], [sflag:$0x1] =	stream.linear.gather [hbm4b:s19+s17], $0x4000, $0x38;
	[tilespmem:$0x1C000] =	vst v63  }
0xb7: {  	_ =	swait.ge [sflag:s13], $0x4000  }
0xb8: {  	[sflag:s13] =	ssyncset.done $0x0  }
0xb9: {  	s17 =	simm.s32 $0x0;
	[sflag:s13] =	ssyncadd.s32 $0xFFFFC000  }
0xba: {  	v0 =	vld [tilespmem:s17+$0x80F0]  }
0xbb: {  	v1 =	vld [tilespmem:s17+$0x8000]  }
0xbc: {  	v2 =	vld [tilespmem:s17+$0x8010]  }
0xbd: {  	v3 =	vld [tilespmem:s17+$0x8020]  }
0xbe: {  	v4 =	vld [tilespmem:s17+$0x8030]  }
0xbf: {  	v5 =	vld [tilespmem:s17+$0x8040]  }
0xc0: {  	v6 =	vld [tilespmem:s17+$0x8050]  }
0xc1: {  	v7 =	vld [tilespmem:s17+$0x8060]  }
0xc2: {  	v8 =	vld [tilespmem:s17+$0x8070]  }
0xc3: {  	v9 =	vld [tilespmem:s17+$0x8080]  }
0xc4: {  	v10 =	vld [tilespmem:s17+$0x8090]  }
0xc5: {  	v11 =	vld [tilespmem:s17+$0x80A0]  }
0xc6: {  	v12 =	vld [tilespmem:s17+$0x80B0]  }
0xc7: {  	v13 =	vld [tilespmem:s17+$0x80C0]  }
0xc8: {  	v14 =	vld [tilespmem:s17+$0x80D0]  }
0xc9: {  	[tilespmem:s17+$0x180F0] =	vst.add.f32.msk $0xffff, v0  }
0xca: {  	v0 =	vld [tilespmem:s17+$0x80E0]  }
0xcb: {  	[tilespmem:s17+$0x18000] =	vst.add.f32.msk $0xffff, v1  }
0xcc: {  	[tilespmem:s17+$0x18010] =	vst.add.f32.msk $0xffff, v2  }
0xcd: {  	[tilespmem:s17+$0x18020] =	vst.add.f32.msk $0xffff, v3  }
0xce: {  	[tilespmem:s17+$0x18030] =	vst.add.f32.msk $0xffff, v4  }
0xcf: {  	[tilespmem:s17+$0x18040] =	vst.add.f32.msk $0xffff, v5  }
0xd0: {  	[tilespmem:s17+$0x18050] =	vst.add.f32.msk $0xffff, v6  }
0xd1: {  	[tilespmem:s17+$0x18060] =	vst.add.f32.msk $0xffff, v7  }
0xd2: {  	[tilespmem:s17+$0x18070] =	vst.add.f32.msk $0xffff, v8  }
0xd3: {  	[tilespmem:s17+$0x18080] =	vst.add.f32.msk $0xffff, v9  }
0xd4: {  	[tilespmem:s17+$0x18090] =	vst.add.f32.msk $0xffff, v10  }
0xd5: {  	[tilespmem:s17+$0x180A0] =	vst.add.f32.msk $0xffff, v11  }
0xd6: {  	[tilespmem:s17+$0x180B0] =	vst.add.f32.msk $0xffff, v12  }
0xd7: {  	[tilespmem:s17+$0x180C0] =	vst.add.f32.msk $0xffff, v13  }
0xd8: {  	s18 =	simm.s32 $0x0;
	s19 =	simm.s32 $0x400;
	[tilespmem:s17+$0x180D0] =	vst.add.f32.msk $0xffff, v14  }
.LBB2_6:
0xd9: {  	s18 =	sadd.s32 $0x100, s18;
	[tilespmem:s17+$0x180E0] =	vst.add.f32.msk $0xffff, v0;
	s17 =	sshra.s32 s19, $0x2  }
0xda: {  	v0 =	vld [tilespmem:s17+$0x80F0];
	p0 =	slt.u32 s18, $0x3F00  }
0xdb: {  	v1 =	vld [tilespmem:s17+$0x8000]  }
0xdc: {  	v2 =	vld [tilespmem:s17+$0x8010]  }
0xdd: {  	v3 =	vld [tilespmem:s17+$0x8020]  }
0xde: {  	v4 =	vld [tilespmem:s17+$0x8030]  }
0xdf: {  	[tilespmem:s17+$0x180F0] =	vst.add.f32.msk $0xffff, v0  }
0xe0: {  	v5 =	vld [tilespmem:s17+$0x8040]  }
0xe1: {  	v6 =	vld [tilespmem:s17+$0x8050]  }
0xe2: {  	v7 =	vld [tilespmem:s17+$0x8060]  }
0xe3: {  	v8 =	vld [tilespmem:s17+$0x8070]  }
0xe4: {  	v9 =	vld [tilespmem:s17+$0x8080]  }
0xe5: {  	v10 =	vld [tilespmem:s17+$0x8090]  }
0xe6: {  	v11 =	vld [tilespmem:s17+$0x80A0]  }
0xe7: {  	v12 =	vld [tilespmem:s17+$0x80B0]  }
0xe8: {  	v13 =	vld [tilespmem:s17+$0x80C0]  }
0xe9: {  	v14 =	vld [tilespmem:s17+$0x80D0]  }
0xea: {  	v0 =	vld [tilespmem:s17+$0x80E0]  }
0xeb: {  	[tilespmem:s17+$0x18000] =	vst.add.f32.msk $0xffff, v1  }
0xec: {  	[tilespmem:s17+$0x18010] =	vst.add.f32.msk $0xffff, v2  }
0xed: {  	[tilespmem:s17+$0x18020] =	vst.add.f32.msk $0xffff, v3  }
0xee: {  	[tilespmem:s17+$0x18030] =	vst.add.f32.msk $0xffff, v4  }
0xef: {  	[tilespmem:s17+$0x18040] =	vst.add.f32.msk $0xffff, v5  }
0xf0: {  	[tilespmem:s17+$0x18050] =	vst.add.f32.msk $0xffff, v6  }
0xf1: {  	[tilespmem:s17+$0x18060] =	vst.add.f32.msk $0xffff, v7  }
0xf2: {  	[tilespmem:s17+$0x18070] =	vst.add.f32.msk $0xffff, v8  }
0xf3: {  	[tilespmem:s17+$0x18080] =	vst.add.f32.msk $0xffff, v9  }
.Ltmp2:
0xf4: {  	[tilespmem:s17+$0x18090] =	vst.add.f32.msk $0xffff, v10;
	(pc) =	sbr.rel @p0 .LBB2_6-.Ltmp2, $4  }
0xf5: {  	[tilespmem:s17+$0x180A0] =	vst.add.f32.msk $0xffff, v11  }
0xf6: {  	[tilespmem:s17+$0x180B0] =	vst.add.f32.msk $0xffff, v12  }
0xf7: {  	[tilespmem:s17+$0x180C0] =	vst.add.f32.msk $0xffff, v13  }
0xf8: {  	s19 =	sadd.s32 $0x400, s19;
	[tilespmem:s17+$0x180D0] =	vst.add.f32.msk $0xffff, v14  }
0xf9: {  	[tilespmem:s17+$0x180E0] =	vst.add.f32.msk $0xffff, v0  }
0xfa: {  	s17 =	simm.s32 $0x0;
	s18 =	rddreg [dreg:$0x7]  }
0xfb: {  	[hbm4b:s18+s17] =	stream.linear.scatter [tilespmem:s10], [sflag:$0x6], $0x4000, $0x38;
	[tilespmem:$0x1C000] =	vst v63  }
0xfc: {  	_ =	swait.ge [sflag:s14], $0x4000  }
0xfd: {  	[sflag:s14] =	ssyncset.done $0x0  }
0xfe: {  	s19 =	rddreg [dreg:$0x8];
	[sflag:s14] =	ssyncadd.s32 $0xFFFFC000  }
0xff: {  	[tilespmem:s8], [sflag:$0x2] =	stream.linear.gather [hbm4b:s19+s17], $0x4000, $0x38;
	[tilespmem:$0x1C000] =	vst v63  }
0x100: {  	_ =	swait.ge [sflag:s9], $0x4000  }
0x101: {  	[sflag:s9] =	ssyncset.done $0x0  }
0x102: {  	s17 =	simm.s32 $0x0;
	[sflag:s9] =	ssyncadd.s32 $0xFFFFC000  }
0x103: {  	v0 =	vld [tilespmem:s17+$0xC0F0]  }
0x104: {  	v1 =	vld [tilespmem:s17+$0xC000]  }
0x105: {  	v2 =	vld [tilespmem:s17+$0xC010]  }
0x106: {  	v3 =	vld [tilespmem:s17+$0xC020]  }
0x107: {  	v4 =	vld [tilespmem:s17+$0xC030]  }
0x108: {  	v5 =	vld [tilespmem:s17+$0xC040]  }
0x109: {  	v6 =	vld [tilespmem:s17+$0xC050]  }
0x10a: {  	v7 =	vld [tilespmem:s17+$0xC060]  }
0x10b: {  	v8 =	vld [tilespmem:s17+$0xC070]  }
0x10c: {  	v9 =	vld [tilespmem:s17+$0xC080]  }
0x10d: {  	v10 =	vld [tilespmem:s17+$0xC090]  }
0x10e: {  	v11 =	vld [tilespmem:s17+$0xC0A0]  }
0x10f: {  	v12 =	vld [tilespmem:s17+$0xC0B0]  }
0x110: {  	v13 =	vld [tilespmem:s17+$0xC0C0]  }
0x111: {  	v14 =	vld [tilespmem:s17+$0xC0D0]  }
0x112: {  	[tilespmem:s17+$0x100F0] =	vst.add.f32.msk $0xffff, v0  }
0x113: {  	v0 =	vld [tilespmem:s17+$0xC0E0]  }
0x114: {  	[tilespmem:s17+$0x10000] =	vst.add.f32.msk $0xffff, v1  }
0x115: {  	[tilespmem:s17+$0x10010] =	vst.add.f32.msk $0xffff, v2  }
0x116: {  	[tilespmem:s17+$0x10020] =	vst.add.f32.msk $0xffff, v3  }
0x117: {  	[tilespmem:s17+$0x10030] =	vst.add.f32.msk $0xffff, v4  }
0x118: {  	[tilespmem:s17+$0x10040] =	vst.add.f32.msk $0xffff, v5  }
0x119: {  	[tilespmem:s17+$0x10050] =	vst.add.f32.msk $0xffff, v6  }
0x11a: {  	[tilespmem:s17+$0x10060] =	vst.add.f32.msk $0xffff, v7  }
0x11b: {  	[tilespmem:s17+$0x10070] =	vst.add.f32.msk $0xffff, v8  }
0x11c: {  	[tilespmem:s17+$0x10080] =	vst.add.f32.msk $0xffff, v9  }
0x11d: {  	[tilespmem:s17+$0x10090] =	vst.add.f32.msk $0xffff, v10  }
0x11e: {  	[tilespmem:s17+$0x100A0] =	vst.add.f32.msk $0xffff, v11  }
0x11f: {  	[tilespmem:s17+$0x100B0] =	vst.add.f32.msk $0xffff, v12  }
0x120: {  	[tilespmem:s17+$0x100C0] =	vst.add.f32.msk $0xffff, v13  }
0x121: {  	s18 =	simm.s32 $0x0;
	s19 =	simm.s32 $0x400;
	[tilespmem:s17+$0x100D0] =	vst.add.f32.msk $0xffff, v14  }
.LBB2_8:
0x122: {  	s18 =	sadd.s32 $0x100, s18;
	[tilespmem:s17+$0x100E0] =	vst.add.f32.msk $0xffff, v0;
	s17 =	sshra.s32 s19, $0x2  }
0x123: {  	v0 =	vld [tilespmem:s17+$0xC0F0];
	p0 =	slt.u32 s18, $0x3F00  }
0x124: {  	v1 =	vld [tilespmem:s17+$0xC000]  }
0x125: {  	v2 =	vld [tilespmem:s17+$0xC010]  }
0x126: {  	v3 =	vld [tilespmem:s17+$0xC020]  }
0x127: {  	v4 =	vld [tilespmem:s17+$0xC030]  }
0x128: {  	[tilespmem:s17+$0x100F0] =	vst.add.f32.msk $0xffff, v0  }
0x129: {  	v5 =	vld [tilespmem:s17+$0xC040]  }
0x12a: {  	v6 =	vld [tilespmem:s17+$0xC050]  }
0x12b: {  	v7 =	vld [tilespmem:s17+$0xC060]  }
0x12c: {  	v8 =	vld [tilespmem:s17+$0xC070]  }
0x12d: {  	v9 =	vld [tilespmem:s17+$0xC080]  }
0x12e: {  	v10 =	vld [tilespmem:s17+$0xC090]  }
0x12f: {  	v11 =	vld [tilespmem:s17+$0xC0A0]  }
0x130: {  	v12 =	vld [tilespmem:s17+$0xC0B0]  }
0x131: {  	v13 =	vld [tilespmem:s17+$0xC0C0]  }
0x132: {  	v14 =	vld [tilespmem:s17+$0xC0D0]  }
0x133: {  	v0 =	vld [tilespmem:s17+$0xC0E0]  }
0x134: {  	[tilespmem:s17+$0x10000] =	vst.add.f32.msk $0xffff, v1  }
0x135: {  	[tilespmem:s17+$0x10010] =	vst.add.f32.msk $0xffff, v2  }
0x136: {  	[tilespmem:s17+$0x10020] =	vst.add.f32.msk $0xffff, v3  }
0x137: {  	[tilespmem:s17+$0x10030] =	vst.add.f32.msk $0xffff, v4  }
0x138: {  	[tilespmem:s17+$0x10040] =	vst.add.f32.msk $0xffff, v5  }
0x139: {  	[tilespmem:s17+$0x10050] =	vst.add.f32.msk $0xffff, v6  }
0x13a: {  	[tilespmem:s17+$0x10060] =	vst.add.f32.msk $0xffff, v7  }
0x13b: {  	[tilespmem:s17+$0x10070] =	vst.add.f32.msk $0xffff, v8  }
0x13c: {  	[tilespmem:s17+$0x10080] =	vst.add.f32.msk $0xffff, v9  }
.Ltmp3:
0x13d: {  	[tilespmem:s17+$0x10090] =	vst.add.f32.msk $0xffff, v10;
	(pc) =	sbr.rel @p0 .LBB2_8-.Ltmp3, $4  }
0x13e: {  	[tilespmem:s17+$0x100A0] =	vst.add.f32.msk $0xffff, v11  }
0x13f: {  	[tilespmem:s17+$0x100B0] =	vst.add.f32.msk $0xffff, v12  }
0x140: {  	[tilespmem:s17+$0x100C0] =	vst.add.f32.msk $0xffff, v13  }
0x141: {  	s19 =	sadd.s32 $0x400, s19;
	[tilespmem:s17+$0x100D0] =	vst.add.f32.msk $0xffff, v14  }
0x142: {  	[tilespmem:s17+$0x100E0] =	vst.add.f32.msk $0xffff, v0  }
0x143: {  	s17 =	simm.s32 $0x0;
	s18 =	rddreg [dreg:$0x9]  }
0x144: {  	[hbm4b:s18+s17] =	stream.linear.scatter [tilespmem:s7], [sflag:$0x4], $0x4000, $0x38;
	[tilespmem:$0x1C000] =	vst v63  }
0x145: {  	_ =	swait.ge [sflag:s15], $0x4000  }
0x146: {  	[sflag:s15] =	ssyncset.done $0x0  }
0x147: {  	s19 =	rddreg [dreg:$0xa];
	[sflag:s15] =	ssyncadd.s32 $0xFFFFC000  }
0x148: {  	[tilespmem:s10], [sflag:$0x3] =	stream.linear.gather [hbm4b:s19+s17], $0x4000, $0x38;
	[tilespmem:$0x1C000] =	vst v63  }
0x149: {  	_ =	swait.ge [sflag:s11], $0x4000  }
0x14a: {  	[sflag:s11] =	ssyncset.done $0x0  }
0x14b: {  	s17 =	simm.s32 $0x0;
	[sflag:s11] =	ssyncadd.s32 $0xFFFFC000  }
0x14c: {  	v0 =	vld [tilespmem:s17+$0xF0]  }
0x14d: {  	v1 =	vld [tilespmem:s17+$0x0]  }
0x14e: {  	v2 =	vld [tilespmem:s17+$0x10]  }
0x14f: {  	v3 =	vld [tilespmem:s17+$0x20]  }
0x150: {  	v4 =	vld [tilespmem:s17+$0x30]  }
0x151: {  	v5 =	vld [tilespmem:s17+$0x40]  }
0x152: {  	v6 =	vld [tilespmem:s17+$0x50]  }
0x153: {  	v7 =	vld [tilespmem:s17+$0x60]  }
0x154: {  	v8 =	vld [tilespmem:s17+$0x70]  }
0x155: {  	v9 =	vld [tilespmem:s17+$0x80]  }
0x156: {  	v10 =	vld [tilespmem:s17+$0x90]  }
0x157: {  	v11 =	vld [tilespmem:s17+$0xA0]  }
0x158: {  	v12 =	vld [tilespmem:s17+$0xB0]  }
0x159: {  	v13 =	vld [tilespmem:s17+$0xC0]  }
0x15a: {  	v14 =	vld [tilespmem:s17+$0xD0]  }
0x15b: {  	[tilespmem:s17+$0x140F0] =	vst.add.f32.msk $0xffff, v0  }
0x15c: {  	v0 =	vld [tilespmem:s17+$0xE0]  }
0x15d: {  	[tilespmem:s17+$0x14000] =	vst.add.f32.msk $0xffff, v1  }
0x15e: {  	[tilespmem:s17+$0x14010] =	vst.add.f32.msk $0xffff, v2  }
0x15f: {  	[tilespmem:s17+$0x14020] =	vst.add.f32.msk $0xffff, v3  }
0x160: {  	[tilespmem:s17+$0x14030] =	vst.add.f32.msk $0xffff, v4  }
0x161: {  	[tilespmem:s17+$0x14040] =	vst.add.f32.msk $0xffff, v5  }
0x162: {  	[tilespmem:s17+$0x14050] =	vst.add.f32.msk $0xffff, v6  }
0x163: {  	[tilespmem:s17+$0x14060] =	vst.add.f32.msk $0xffff, v7  }
0x164: {  	[tilespmem:s17+$0x14070] =	vst.add.f32.msk $0xffff, v8  }
0x165: {  	[tilespmem:s17+$0x14080] =	vst.add.f32.msk $0xffff, v9  }
0x166: {  	[tilespmem:s17+$0x14090] =	vst.add.f32.msk $0xffff, v10  }
0x167: {  	[tilespmem:s17+$0x140A0] =	vst.add.f32.msk $0xffff, v11  }
0x168: {  	[tilespmem:s17+$0x140B0] =	vst.add.f32.msk $0xffff, v12  }
0x169: {  	[tilespmem:s17+$0x140C0] =	vst.add.f32.msk $0xffff, v13  }
0x16a: {  	s18 =	simm.s32 $0x0;
	s19 =	simm.s32 $0x400;
	[tilespmem:s17+$0x140D0] =	vst.add.f32.msk $0xffff, v14  }
.LBB2_10:
0x16b: {  	s18 =	sadd.s32 $0x100, s18;
	[tilespmem:s17+$0x140E0] =	vst.add.f32.msk $0xffff, v0;
	s17 =	sshra.s32 s19, $0x2  }
0x16c: {  	v0 =	vld [tilespmem:s17+$0xF0];
	p0 =	slt.u32 s18, $0x3F00  }
0x16d: {  	v1 =	vld [tilespmem:s17+$0x0]  }
0x16e: {  	v2 =	vld [tilespmem:s17+$0x10]  }
0x16f: {  	v3 =	vld [tilespmem:s17+$0x20]  }
0x170: {  	v4 =	vld [tilespmem:s17+$0x30]  }
0x171: {  	[tilespmem:s17+$0x140F0] =	vst.add.f32.msk $0xffff, v0  }
0x172: {  	v5 =	vld [tilespmem:s17+$0x40]  }
0x173: {  	v6 =	vld [tilespmem:s17+$0x50]  }
0x174: {  	v7 =	vld [tilespmem:s17+$0x60]  }
0x175: {  	v8 =	vld [tilespmem:s17+$0x70]  }
0x176: {  	v9 =	vld [tilespmem:s17+$0x80]  }
0x177: {  	v10 =	vld [tilespmem:s17+$0x90]  }
0x178: {  	v11 =	vld [tilespmem:s17+$0xA0]  }
0x179: {  	v12 =	vld [tilespmem:s17+$0xB0]  }
0x17a: {  	v13 =	vld [tilespmem:s17+$0xC0]  }
0x17b: {  	v14 =	vld [tilespmem:s17+$0xD0]  }
0x17c: {  	v0 =	vld [tilespmem:s17+$0xE0]  }
0x17d: {  	[tilespmem:s17+$0x14000] =	vst.add.f32.msk $0xffff, v1  }
0x17e: {  	[tilespmem:s17+$0x14010] =	vst.add.f32.msk $0xffff, v2  }
0x17f: {  	[tilespmem:s17+$0x14020] =	vst.add.f32.msk $0xffff, v3  }
0x180: {  	[tilespmem:s17+$0x14030] =	vst.add.f32.msk $0xffff, v4  }
0x181: {  	[tilespmem:s17+$0x14040] =	vst.add.f32.msk $0xffff, v5  }
0x182: {  	[tilespmem:s17+$0x14050] =	vst.add.f32.msk $0xffff, v6  }
0x183: {  	[tilespmem:s17+$0x14060] =	vst.add.f32.msk $0xffff, v7  }
0x184: {  	[tilespmem:s17+$0x14070] =	vst.add.f32.msk $0xffff, v8  }
0x185: {  	[tilespmem:s17+$0x14080] =	vst.add.f32.msk $0xffff, v9  }
.Ltmp4:
0x186: {  	[tilespmem:s17+$0x14090] =	vst.add.f32.msk $0xffff, v10;
	(pc) =	sbr.rel @p0 .LBB2_10-.Ltmp4, $4  }
0x187: {  	[tilespmem:s17+$0x140A0] =	vst.add.f32.msk $0xffff, v11  }
0x188: {  	[tilespmem:s17+$0x140B0] =	vst.add.f32.msk $0xffff, v12  }
0x189: {  	[tilespmem:s17+$0x140C0] =	vst.add.f32.msk $0xffff, v13  }
0x18a: {  	s19 =	sadd.s32 $0x400, s19;
	[tilespmem:s17+$0x140D0] =	vst.add.f32.msk $0xffff, v14  }
0x18b: {  	[tilespmem:s17+$0x140E0] =	vst.add.f32.msk $0xffff, v0  }
0x18c: {  	s17 =	simm.s32 $0x0;
	s18 =	rddreg [dreg:$0xb]  }
0x18d: {  	[hbm4b:s18+s17] =	stream.linear.scatter [tilespmem:s8], [sflag:$0x5], $0x4000, $0x38;
	[tilespmem:$0x1C000] =	vst v63  }
0x18e: {  	_ =	swait.ge [sflag:s12], $0x4000  }
0x18f: {  	[sflag:s12] =	ssyncset.done $0x0  }
0x190: {  	s19 =	rddreg [dreg:$0xc];
	[sflag:s12] =	ssyncadd.s32 $0xFFFFC000  }
0x191: {  	[tilespmem:s7], [sflag:$0x1] =	stream.linear.gather [hbm4b:s19+s17], $0x4000, $0x38;
	[tilespmem:$0x1C000] =	vst v63  }
0x192: {  	_ =	swait.ge [sflag:s13], $0x4000  }
0x193: {  	[sflag:s13] =	ssyncset.done $0x0  }
0x194: {  	s17 =	simm.s32 $0x0;
	[sflag:s13] =	ssyncadd.s32 $0xFFFFC000  }
0x195: {  	v0 =	vld [tilespmem:s17+$0x40F0]  }
0x196: {  	v1 =	vld [tilespmem:s17+$0x4000]  }
0x197: {  	v2 =	vld [tilespmem:s17+$0x4010]  }
0x198: {  	v3 =	vld [tilespmem:s17+$0x4020]  }
0x199: {  	v4 =	vld [tilespmem:s17+$0x4030]  }
0x19a: {  	v5 =	vld [tilespmem:s17+$0x4040]  }
0x19b: {  	v6 =	vld [tilespmem:s17+$0x4050]  }
0x19c: {  	v7 =	vld [tilespmem:s17+$0x4060]  }
0x19d: {  	v8 =	vld [tilespmem:s17+$0x4070]  }
0x19e: {  	v9 =	vld [tilespmem:s17+$0x4080]  }
0x19f: {  	v10 =	vld [tilespmem:s17+$0x4090]  }
0x1a0: {  	v11 =	vld [tilespmem:s17+$0x40A0]  }
0x1a1: {  	v12 =	vld [tilespmem:s17+$0x40B0]  }
0x1a2: {  	v13 =	vld [tilespmem:s17+$0x40C0]  }
0x1a3: {  	v14 =	vld [tilespmem:s17+$0x40D0]  }
0x1a4: {  	[tilespmem:s17+$0x180F0] =	vst.add.f32.msk $0xffff, v0  }
0x1a5: {  	v0 =	vld [tilespmem:s17+$0x40E0]  }
0x1a6: {  	[tilespmem:s17+$0x18000] =	vst.add.f32.msk $0xffff, v1  }
0x1a7: {  	[tilespmem:s17+$0x18010] =	vst.add.f32.msk $0xffff, v2  }
0x1a8: {  	[tilespmem:s17+$0x18020] =	vst.add.f32.msk $0xffff, v3  }
0x1a9: {  	[tilespmem:s17+$0x18030] =	vst.add.f32.msk $0xffff, v4  }
0x1aa: {  	[tilespmem:s17+$0x18040] =	vst.add.f32.msk $0xffff, v5  }
0x1ab: {  	[tilespmem:s17+$0x18050] =	vst.add.f32.msk $0xffff, v6  }
0x1ac: {  	[tilespmem:s17+$0x18060] =	vst.add.f32.msk $0xffff, v7  }
0x1ad: {  	[tilespmem:s17+$0x18070] =	vst.add.f32.msk $0xffff, v8  }
0x1ae: {  	[tilespmem:s17+$0x18080] =	vst.add.f32.msk $0xffff, v9  }
0x1af: {  	[tilespmem:s17+$0x18090] =	vst.add.f32.msk $0xffff, v10  }
0x1b0: {  	[tilespmem:s17+$0x180A0] =	vst.add.f32.msk $0xffff, v11  }
0x1b1: {  	[tilespmem:s17+$0x180B0] =	vst.add.f32.msk $0xffff, v12  }
0x1b2: {  	[tilespmem:s17+$0x180C0] =	vst.add.f32.msk $0xffff, v13  }
0x1b3: {  	s18 =	simm.s32 $0x0;
	s19 =	simm.s32 $0x400;
	[tilespmem:s17+$0x180D0] =	vst.add.f32.msk $0xffff, v14  }
.LBB2_12:
0x1b4: {  	s18 =	sadd.s32 $0x100, s18;
	[tilespmem:s17+$0x180E0] =	vst.add.f32.msk $0xffff, v0;
	s17 =	sshra.s32 s19, $0x2  }
0x1b5: {  	v0 =	vld [tilespmem:s17+$0x40F0];
	p0 =	slt.u32 s18, $0x3F00  }
0x1b6: {  	v1 =	vld [tilespmem:s17+$0x4000]  }
0x1b7: {  	v2 =	vld [tilespmem:s17+$0x4010]  }
0x1b8: {  	v3 =	vld [tilespmem:s17+$0x4020]  }
0x1b9: {  	v4 =	vld [tilespmem:s17+$0x4030]  }
0x1ba: {  	[tilespmem:s17+$0x180F0] =	vst.add.f32.msk $0xffff, v0  }
0x1bb: {  	v5 =	vld [tilespmem:s17+$0x4040]  }
0x1bc: {  	v6 =	vld [tilespmem:s17+$0x4050]  }
0x1bd: {  	v7 =	vld [tilespmem:s17+$0x4060]  }
0x1be: {  	v8 =	vld [tilespmem:s17+$0x4070]  }
0x1bf: {  	v9 =	vld [tilespmem:s17+$0x4080]  }
0x1c0: {  	v10 =	vld [tilespmem:s17+$0x4090]  }
0x1c1: {  	v11 =	vld [tilespmem:s17+$0x40A0]  }
0x1c2: {  	v12 =	vld [tilespmem:s17+$0x40B0]  }
0x1c3: {  	v13 =	vld [tilespmem:s17+$0x40C0]  }
0x1c4: {  	v14 =	vld [tilespmem:s17+$0x40D0]  }
0x1c5: {  	v0 =	vld [tilespmem:s17+$0x40E0]  }
0x1c6: {  	[tilespmem:s17+$0x18000] =	vst.add.f32.msk $0xffff, v1  }
0x1c7: {  	[tilespmem:s17+$0x18010] =	vst.add.f32.msk $0xffff, v2  }
0x1c8: {  	[tilespmem:s17+$0x18020] =	vst.add.f32.msk $0xffff, v3  }
0x1c9: {  	[tilespmem:s17+$0x18030] =	vst.add.f32.msk $0xffff, v4  }
0x1ca: {  	[tilespmem:s17+$0x18040] =	vst.add.f32.msk $0xffff, v5  }
0x1cb: {  	[tilespmem:s17+$0x18050] =	vst.add.f32.msk $0xffff, v6  }
0x1cc: {  	[tilespmem:s17+$0x18060] =	vst.add.f32.msk $0xffff, v7  }
0x1cd: {  	[tilespmem:s17+$0x18070] =	vst.add.f32.msk $0xffff, v8  }
0x1ce: {  	[tilespmem:s17+$0x18080] =	vst.add.f32.msk $0xffff, v9  }
.Ltmp5:
0x1cf: {  	[tilespmem:s17+$0x18090] =	vst.add.f32.msk $0xffff, v10;
	(pc) =	sbr.rel @p0 .LBB2_12-.Ltmp5, $4  }
0x1d0: {  	[tilespmem:s17+$0x180A0] =	vst.add.f32.msk $0xffff, v11  }
0x1d1: {  	[tilespmem:s17+$0x180B0] =	vst.add.f32.msk $0xffff, v12  }
0x1d2: {  	[tilespmem:s17+$0x180C0] =	vst.add.f32.msk $0xffff, v13  }
0x1d3: {  	s19 =	sadd.s32 $0x400, s19;
	[tilespmem:s17+$0x180D0] =	vst.add.f32.msk $0xffff, v14  }
0x1d4: {  	[tilespmem:s17+$0x180E0] =	vst.add.f32.msk $0xffff, v0  }
0x1d5: {  	s17 =	simm.s32 $0x0;
	s18 =	rddreg [dreg:$0xd]  }
0x1d6: {  	[hbm4b:s18+s17] =	stream.linear.scatter [tilespmem:s10], [sflag:$0x6], $0x4000, $0x38;
	[tilespmem:$0x1C000] =	vst v63  }
0x1d7: {  	_ =	swait.ge [sflag:s14], $0x4000  }
0x1d8: {  	[sflag:s14] =	ssyncset.done $0x0  }
0x1d9: {  	s19 =	rddreg [dreg:$0xe];
	[sflag:s14] =	ssyncadd.s32 $0xFFFFC000  }
0x1da: {  	[tilespmem:s8], [sflag:$0x2] =	stream.linear.gather [hbm4b:s19+s17], $0x4000, $0x38;
	[tilespmem:$0x1C000] =	vst v63  }
0x1db: {  	_ =	swait.ge [sflag:s9], $0x4000  }
0x1dc: {  	[sflag:s9] =	ssyncset.done $0x0  }
0x1dd: {  	s17 =	simm.s32 $0x0;
	[sflag:s9] =	ssyncadd.s32 $0xFFFFC000  }
0x1de: {  	v0 =	vld [tilespmem:s17+$0x80F0]  }
0x1df: {  	v1 =	vld [tilespmem:s17+$0x8000]  }
0x1e0: {  	v2 =	vld [tilespmem:s17+$0x8010]  }
0x1e1: {  	v3 =	vld [tilespmem:s17+$0x8020]  }
0x1e2: {  	v4 =	vld [tilespmem:s17+$0x8030]  }
0x1e3: {  	v5 =	vld [tilespmem:s17+$0x8040]  }
0x1e4: {  	v6 =	vld [tilespmem:s17+$0x8050]  }
0x1e5: {  	v7 =	vld [tilespmem:s17+$0x8060]  }
0x1e6: {  	v8 =	vld [tilespmem:s17+$0x8070]  }
0x1e7: {  	v9 =	vld [tilespmem:s17+$0x8080]  }
0x1e8: {  	v10 =	vld [tilespmem:s17+$0x8090]  }
0x1e9: {  	v11 =	vld [tilespmem:s17+$0x80A0]  }
0x1ea: {  	v12 =	vld [tilespmem:s17+$0x80B0]  }
0x1eb: {  	v13 =	vld [tilespmem:s17+$0x80C0]  }
0x1ec: {  	v14 =	vld [tilespmem:s17+$0x80D0]  }
0x1ed: {  	[tilespmem:s17+$0x100F0] =	vst.add.f32.msk $0xffff, v0  }
0x1ee: {  	v0 =	vld [tilespmem:s17+$0x80E0]  }
0x1ef: {  	[tilespmem:s17+$0x10000] =	vst.add.f32.msk $0xffff, v1  }
0x1f0: {  	[tilespmem:s17+$0x10010] =	vst.add.f32.msk $0xffff, v2  }
0x1f1: {  	[tilespmem:s17+$0x10020] =	vst.add.f32.msk $0xffff, v3  }
0x1f2: {  	[tilespmem:s17+$0x10030] =	vst.add.f32.msk $0xffff, v4  }
0x1f3: {  	[tilespmem:s17+$0x10040] =	vst.add.f32.msk $0xffff, v5  }
0x1f4: {  	[tilespmem:s17+$0x10050] =	vst.add.f32.msk $0xffff, v6  }
0x1f5: {  	[tilespmem:s17+$0x10060] =	vst.add.f32.msk $0xffff, v7  }
0x1f6: {  	[tilespmem:s17+$0x10070] =	vst.add.f32.msk $0xffff, v8  }
0x1f7: {  	[tilespmem:s17+$0x10080] =	vst.add.f32.msk $0xffff, v9  }
0x1f8: {  	[tilespmem:s17+$0x10090] =	vst.add.f32.msk $0xffff, v10  }
0x1f9: {  	[tilespmem:s17+$0x100A0] =	vst.add.f32.msk $0xffff, v11  }
0x1fa: {  	[tilespmem:s17+$0x100B0] =	vst.add.f32.msk $0xffff, v12  }
0x1fb: {  	[tilespmem:s17+$0x100C0] =	vst.add.f32.msk $0xffff, v13  }
0x1fc: {  	s18 =	simm.s32 $0x0;
	s19 =	simm.s32 $0x400;
	[tilespmem:s17+$0x100D0] =	vst.add.f32.msk $0xffff, v14  }
.LBB2_14:
0x1fd: {  	s18 =	sadd.s32 $0x100, s18;
	[tilespmem:s17+$0x100E0] =	vst.add.f32.msk $0xffff, v0;
	s17 =	sshra.s32 s19, $0x2  }
0x1fe: {  	v0 =	vld [tilespmem:s17+$0x80F0];
	p0 =	slt.u32 s18, $0x3F00  }
0x1ff: {  	v1 =	vld [tilespmem:s17+$0x8000]  }
0x200: {  	v2 =	vld [tilespmem:s17+$0x8010]  }
0x201: {  	v3 =	vld [tilespmem:s17+$0x8020]  }
0x202: {  	v4 =	vld [tilespmem:s17+$0x8030]  }
0x203: {  	[tilespmem:s17+$0x100F0] =	vst.add.f32.msk $0xffff, v0  }
0x204: {  	v5 =	vld [tilespmem:s17+$0x8040]  }
0x205: {  	v6 =	vld [tilespmem:s17+$0x8050]  }
0x206: {  	v7 =	vld [tilespmem:s17+$0x8060]  }
0x207: {  	v8 =	vld [tilespmem:s17+$0x8070]  }
0x208: {  	v9 =	vld [tilespmem:s17+$0x8080]  }
0x209: {  	v10 =	vld [tilespmem:s17+$0x8090]  }
0x20a: {  	v11 =	vld [tilespmem:s17+$0x80A0]  }
0x20b: {  	v12 =	vld [tilespmem:s17+$0x80B0]  }
0x20c: {  	v13 =	vld [tilespmem:s17+$0x80C0]  }
0x20d: {  	v14 =	vld [tilespmem:s17+$0x80D0]  }
0x20e: {  	v0 =	vld [tilespmem:s17+$0x80E0]  }
0x20f: {  	[tilespmem:s17+$0x10000] =	vst.add.f32.msk $0xffff, v1  }
0x210: {  	[tilespmem:s17+$0x10010] =	vst.add.f32.msk $0xffff, v2  }
0x211: {  	[tilespmem:s17+$0x10020] =	vst.add.f32.msk $0xffff, v3  }
0x212: {  	[tilespmem:s17+$0x10030] =	vst.add.f32.msk $0xffff, v4  }
0x213: {  	[tilespmem:s17+$0x10040] =	vst.add.f32.msk $0xffff, v5  }
0x214: {  	[tilespmem:s17+$0x10050] =	vst.add.f32.msk $0xffff, v6  }
0x215: {  	[tilespmem:s17+$0x10060] =	vst.add.f32.msk $0xffff, v7  }
0x216: {  	[tilespmem:s17+$0x10070] =	vst.add.f32.msk $0xffff, v8  }
0x217: {  	[tilespmem:s17+$0x10080] =	vst.add.f32.msk $0xffff, v9  }
.Ltmp6:
0x218: {  	[tilespmem:s17+$0x10090] =	vst.add.f32.msk $0xffff, v10;
	(pc) =	sbr.rel @p0 .LBB2_14-.Ltmp6, $4  }
0x219: {  	[tilespmem:s17+$0x100A0] =	vst.add.f32.msk $0xffff, v11  }
0x21a: {  	[tilespmem:s17+$0x100B0] =	vst.add.f32.msk $0xffff, v12  }
0x21b: {  	[tilespmem:s17+$0x100C0] =	vst.add.f32.msk $0xffff, v13  }
0x21c: {  	s19 =	sadd.s32 $0x400, s19;
	[tilespmem:s17+$0x100D0] =	vst.add.f32.msk $0xffff, v14  }
0x21d: {  	[tilespmem:s17+$0x100E0] =	vst.add.f32.msk $0xffff, v0  }
0x21e: {  	s17 =	simm.s32 $0x0;
	s18 =	rddreg [dreg:$0xf]  }
0x21f: {  	[hbm4b:s18+s17] =	stream.linear.scatter [tilespmem:s7], [sflag:$0x4], $0x4000, $0x38;
	[tilespmem:$0x1C000] =	vst v63  }
0x220: {  	_ =	swait.ge [sflag:s15], $0x4000  }
0x221: {  	[sflag:s15] =	ssyncset.done $0x0  }
0x222: {  	s19 =	rddreg [dreg:$0x10];
	[sflag:s15] =	ssyncadd.s32 $0xFFFFC000  }
0x223: {  	[tilespmem:s10], [sflag:$0x3] =	stream.linear.gather [hbm4b:s19+s17], $0x4000, $0x38;
	[tilespmem:$0x1C000] =	vst v63  }
0x224: {  	_ =	swait.ge [sflag:s11], $0x4000  }
0x225: {  	[sflag:s11] =	ssyncset.done $0x0  }
0x226: {  	s17 =	simm.s32 $0x0;
	[sflag:s11] =	ssyncadd.s32 $0xFFFFC000  }
0x227: {  	v0 =	vld [tilespmem:s17+$0xC0F0]  }
0x228: {  	v1 =	vld [tilespmem:s17+$0xC000]  }
0x229: {  	v2 =	vld [tilespmem:s17+$0xC010]  }
0x22a: {  	v3 =	vld [tilespmem:s17+$0xC020]  }
0x22b: {  	v4 =	vld [tilespmem:s17+$0xC030]  }
0x22c: {  	v5 =	vld [tilespmem:s17+$0xC040]  }
0x22d: {  	v6 =	vld [tilespmem:s17+$0xC050]  }
0x22e: {  	v7 =	vld [tilespmem:s17+$0xC060]  }
0x22f: {  	v8 =	vld [tilespmem:s17+$0xC070]  }
0x230: {  	v9 =	vld [tilespmem:s17+$0xC080]  }
0x231: {  	v10 =	vld [tilespmem:s17+$0xC090]  }
0x232: {  	v11 =	vld [tilespmem:s17+$0xC0A0]  }
0x233: {  	v12 =	vld [tilespmem:s17+$0xC0B0]  }
0x234: {  	v13 =	vld [tilespmem:s17+$0xC0C0]  }
0x235: {  	v14 =	vld [tilespmem:s17+$0xC0D0]  }
0x236: {  	[tilespmem:s17+$0x140F0] =	vst.add.f32.msk $0xffff, v0  }
0x237: {  	v0 =	vld [tilespmem:s17+$0xC0E0]  }
0x238: {  	[tilespmem:s17+$0x14000] =	vst.add.f32.msk $0xffff, v1  }
0x239: {  	[tilespmem:s17+$0x14010] =	vst.add.f32.msk $0xffff, v2  }
0x23a: {  	[tilespmem:s17+$0x14020] =	vst.add.f32.msk $0xffff, v3  }
0x23b: {  	[tilespmem:s17+$0x14030] =	vst.add.f32.msk $0xffff, v4  }
0x23c: {  	[tilespmem:s17+$0x14040] =	vst.add.f32.msk $0xffff, v5  }
0x23d: {  	[tilespmem:s17+$0x14050] =	vst.add.f32.msk $0xffff, v6  }
0x23e: {  	[tilespmem:s17+$0x14060] =	vst.add.f32.msk $0xffff, v7  }
0x23f: {  	[tilespmem:s17+$0x14070] =	vst.add.f32.msk $0xffff, v8  }
0x240: {  	[tilespmem:s17+$0x14080] =	vst.add.f32.msk $0xffff, v9  }
0x241: {  	[tilespmem:s17+$0x14090] =	vst.add.f32.msk $0xffff, v10  }
0x242: {  	[tilespmem:s17+$0x140A0] =	vst.add.f32.msk $0xffff, v11  }
0x243: {  	[tilespmem:s17+$0x140B0] =	vst.add.f32.msk $0xffff, v12  }
0x244: {  	[tilespmem:s17+$0x140C0] =	vst.add.f32.msk $0xffff, v13  }
0x245: {  	s18 =	simm.s32 $0x0;
	s19 =	simm.s32 $0x400;
	[tilespmem:s17+$0x140D0] =	vst.add.f32.msk $0xffff, v14  }
.LBB2_16:
0x246: {  	s18 =	sadd.s32 $0x100, s18;
	[tilespmem:s17+$0x140E0] =	vst.add.f32.msk $0xffff, v0;
	s17 =	sshra.s32 s19, $0x2  }
0x247: {  	v0 =	vld [tilespmem:s17+$0xC0F0];
	p0 =	slt.u32 s18, $0x3F00  }
0x248: {  	v1 =	vld [tilespmem:s17+$0xC000]  }
0x249: {  	v2 =	vld [tilespmem:s17+$0xC010]  }
0x24a: {  	v3 =	vld [tilespmem:s17+$0xC020]  }
0x24b: {  	v4 =	vld [tilespmem:s17+$0xC030]  }
0x24c: {  	[tilespmem:s17+$0x140F0] =	vst.add.f32.msk $0xffff, v0  }
0x24d: {  	v5 =	vld [tilespmem:s17+$0xC040]  }
0x24e: {  	v6 =	vld [tilespmem:s17+$0xC050]  }
0x24f: {  	v7 =	vld [tilespmem:s17+$0xC060]  }
0x250: {  	v8 =	vld [tilespmem:s17+$0xC070]  }
0x251: {  	v9 =	vld [tilespmem:s17+$0xC080]  }
0x252: {  	v10 =	vld [tilespmem:s17+$0xC090]  }
0x253: {  	v11 =	vld [tilespmem:s17+$0xC0A0]  }
0x254: {  	v12 =	vld [tilespmem:s17+$0xC0B0]  }
0x255: {  	v13 =	vld [tilespmem:s17+$0xC0C0]  }
0x256: {  	v14 =	vld [tilespmem:s17+$0xC0D0]  }
0x257: {  	v0 =	vld [tilespmem:s17+$0xC0E0]  }
0x258: {  	[tilespmem:s17+$0x14000] =	vst.add.f32.msk $0xffff, v1  }
0x259: {  	[tilespmem:s17+$0x14010] =	vst.add.f32.msk $0xffff, v2  }
0x25a: {  	[tilespmem:s17+$0x14020] =	vst.add.f32.msk $0xffff, v3  }
0x25b: {  	[tilespmem:s17+$0x14030] =	vst.add.f32.msk $0xffff, v4  }
0x25c: {  	[tilespmem:s17+$0x14040] =	vst.add.f32.msk $0xffff, v5  }
0x25d: {  	[tilespmem:s17+$0x14050] =	vst.add.f32.msk $0xffff, v6  }
0x25e: {  	[tilespmem:s17+$0x14060] =	vst.add.f32.msk $0xffff, v7  }
0x25f: {  	[tilespmem:s17+$0x14070] =	vst.add.f32.msk $0xffff, v8  }
0x260: {  	[tilespmem:s17+$0x14080] =	vst.add.f32.msk $0xffff, v9  }
.Ltmp7:
0x261: {  	[tilespmem:s17+$0x14090] =	vst.add.f32.msk $0xffff, v10;
	(pc) =	sbr.rel @p0 .LBB2_16-.Ltmp7, $4  }
0x262: {  	[tilespmem:s17+$0x140A0] =	vst.add.f32.msk $0xffff, v11  }
0x263: {  	[tilespmem:s17+$0x140B0] =	vst.add.f32.msk $0xffff, v12  }
0x264: {  	[tilespmem:s17+$0x140C0] =	vst.add.f32.msk $0xffff, v13  }
0x265: {  	s19 =	sadd.s32 $0x400, s19;
	[tilespmem:s17+$0x140D0] =	vst.add.f32.msk $0xffff, v14  }
0x266: {  	[tilespmem:s17+$0x140E0] =	vst.add.f32.msk $0xffff, v0  }
0x267: {  	s17 =	simm.s32 $0x0;
	s18 =	rddreg [dreg:$0x11]  }
0x268: {  	[hbm4b:s18+s17] =	stream.linear.scatter [tilespmem:s8], [sflag:$0x5], $0x4000, $0x38;
	[tilespmem:$0x1C000] =	vst v63  }
0x269: {  	_ =	swait.ge [sflag:s12], $0x4000  }
0x26a: {  	[sflag:s12] =	ssyncset.done $0x0  }
0x26b: {  	s19 =	rddreg [dreg:$0x12];
	[sflag:s12] =	ssyncadd.s32 $0xFFFFC000  }
0x26c: {  	[tilespmem:s7], [sflag:$0x1] =	stream.linear.gather [hbm4b:s19+s17], $0x4000, $0x38;
	[tilespmem:$0x1C000] =	vst v63  }
0x26d: {  	_ =	swait.ge [sflag:s13], $0x4000  }
0x26e: {  	[sflag:s13] =	ssyncset.done $0x0  }
0x26f: {  	s17 =	simm.s32 $0x0;
	[sflag:s13] =	ssyncadd.s32 $0xFFFFC000  }
0x270: {  	v0 =	vld [tilespmem:s17+$0xF0]  }
0x271: {  	v1 =	vld [tilespmem:s17+$0x0]  }
0x272: {  	v2 =	vld [tilespmem:s17+$0x10]  }
0x273: {  	v3 =	vld [tilespmem:s17+$0x20]  }
0x274: {  	v4 =	vld [tilespmem:s17+$0x30]  }
0x275: {  	v5 =	vld [tilespmem:s17+$0x40]  }
0x276: {  	v6 =	vld [tilespmem:s17+$0x50]  }
0x277: {  	v7 =	vld [tilespmem:s17+$0x60]  }
0x278: {  	v8 =	vld [tilespmem:s17+$0x70]  }
0x279: {  	v9 =	vld [tilespmem:s17+$0x80]  }
0x27a: {  	v10 =	vld [tilespmem:s17+$0x90]  }
0x27b: {  	v11 =	vld [tilespmem:s17+$0xA0]  }
0x27c: {  	v12 =	vld [tilespmem:s17+$0xB0]  }
0x27d: {  	v13 =	vld [tilespmem:s17+$0xC0]  }
0x27e: {  	v14 =	vld [tilespmem:s17+$0xD0]  }
0x27f: {  	[tilespmem:s17+$0x180F0] =	vst.add.f32.msk $0xffff, v0  }
0x280: {  	v0 =	vld [tilespmem:s17+$0xE0]  }
0x281: {  	[tilespmem:s17+$0x18000] =	vst.add.f32.msk $0xffff, v1  }
0x282: {  	[tilespmem:s17+$0x18010] =	vst.add.f32.msk $0xffff, v2  }
0x283: {  	[tilespmem:s17+$0x18020] =	vst.add.f32.msk $0xffff, v3  }
0x284: {  	[tilespmem:s17+$0x18030] =	vst.add.f32.msk $0xffff, v4  }
0x285: {  	[tilespmem:s17+$0x18040] =	vst.add.f32.msk $0xffff, v5  }
0x286: {  	[tilespmem:s17+$0x18050] =	vst.add.f32.msk $0xffff, v6  }
0x287: {  	[tilespmem:s17+$0x18060] =	vst.add.f32.msk $0xffff, v7  }
0x288: {  	[tilespmem:s17+$0x18070] =	vst.add.f32.msk $0xffff, v8  }
0x289: {  	[tilespmem:s17+$0x18080] =	vst.add.f32.msk $0xffff, v9  }
0x28a: {  	[tilespmem:s17+$0x18090] =	vst.add.f32.msk $0xffff, v10  }
0x28b: {  	[tilespmem:s17+$0x180A0] =	vst.add.f32.msk $0xffff, v11  }
0x28c: {  	[tilespmem:s17+$0x180B0] =	vst.add.f32.msk $0xffff, v12  }
0x28d: {  	[tilespmem:s17+$0x180C0] =	vst.add.f32.msk $0xffff, v13  }
0x28e: {  	s18 =	simm.s32 $0x0;
	s19 =	simm.s32 $0x400;
	[tilespmem:s17+$0x180D0] =	vst.add.f32.msk $0xffff, v14  }
.LBB2_18:
0x28f: {  	s18 =	sadd.s32 $0x100, s18;
	[tilespmem:s17+$0x180E0] =	vst.add.f32.msk $0xffff, v0;
	s17 =	sshra.s32 s19, $0x2  }
0x290: {  	v0 =	vld [tilespmem:s17+$0xF0];
	p0 =	slt.u32 s18, $0x3F00  }
0x291: {  	v1 =	vld [tilespmem:s17+$0x0]  }
0x292: {  	v2 =	vld [tilespmem:s17+$0x10]  }
0x293: {  	v3 =	vld [tilespmem:s17+$0x20]  }
0x294: {  	v4 =	vld [tilespmem:s17+$0x30]  }
0x295: {  	[tilespmem:s17+$0x180F0] =	vst.add.f32.msk $0xffff, v0  }
0x296: {  	v5 =	vld [tilespmem:s17+$0x40]  }
0x297: {  	v6 =	vld [tilespmem:s17+$0x50]  }
0x298: {  	v7 =	vld [tilespmem:s17+$0x60]  }
0x299: {  	v8 =	vld [tilespmem:s17+$0x70]  }
0x29a: {  	v9 =	vld [tilespmem:s17+$0x80]  }
0x29b: {  	v10 =	vld [tilespmem:s17+$0x90]  }
0x29c: {  	v11 =	vld [tilespmem:s17+$0xA0]  }
0x29d: {  	v12 =	vld [tilespmem:s17+$0xB0]  }
0x29e: {  	v13 =	vld [tilespmem:s17+$0xC0]  }
0x29f: {  	v14 =	vld [tilespmem:s17+$0xD0]  }
0x2a0: {  	v0 =	vld [tilespmem:s17+$0xE0]  }
0x2a1: {  	[tilespmem:s17+$0x18000] =	vst.add.f32.msk $0xffff, v1  }
0x2a2: {  	[tilespmem:s17+$0x18010] =	vst.add.f32.msk $0xffff, v2  }
0x2a3: {  	[tilespmem:s17+$0x18020] =	vst.add.f32.msk $0xffff, v3  }
0x2a4: {  	[tilespmem:s17+$0x18030] =	vst.add.f32.msk $0xffff, v4  }
0x2a5: {  	[tilespmem:s17+$0x18040] =	vst.add.f32.msk $0xffff, v5  }
0x2a6: {  	[tilespmem:s17+$0x18050] =	vst.add.f32.msk $0xffff, v6  }
0x2a7: {  	[tilespmem:s17+$0x18060] =	vst.add.f32.msk $0xffff, v7  }
0x2a8: {  	[tilespmem:s17+$0x18070] =	vst.add.f32.msk $0xffff, v8  }
0x2a9: {  	[tilespmem:s17+$0x18080] =	vst.add.f32.msk $0xffff, v9  }
.Ltmp8:
0x2aa: {  	[tilespmem:s17+$0x18090] =	vst.add.f32.msk $0xffff, v10;
	(pc) =	sbr.rel @p0 .LBB2_18-.Ltmp8, $4  }
0x2ab: {  	[tilespmem:s17+$0x180A0] =	vst.add.f32.msk $0xffff, v11  }
0x2ac: {  	[tilespmem:s17+$0x180B0] =	vst.add.f32.msk $0xffff, v12  }
0x2ad: {  	[tilespmem:s17+$0x180C0] =	vst.add.f32.msk $0xffff, v13  }
0x2ae: {  	s19 =	sadd.s32 $0x400, s19;
	[tilespmem:s17+$0x180D0] =	vst.add.f32.msk $0xffff, v14  }
0x2af: {  	[tilespmem:s17+$0x180E0] =	vst.add.f32.msk $0xffff, v0  }
0x2b0: {  	s19 =	simm.s32 $0x0;
	s18 =	rddreg [dreg:$0x13]  }
0x2b1: {  	[hbm4b:s18+s19] =	stream.linear.scatter [tilespmem:s10], [sflag:$0x6], $0x4000, $0x38;
	[tilespmem:$0x1C000] =	vst v63  }
0x2b2: {  	_ =	swait.ge [sflag:s14], $0x4000  }
0x2b3: {  	[sflag:s14] =	ssyncset.done $0x0  }
0x2b4: {  	[sflag:s14] =	ssyncadd.s32 $0xFFFFC000  }
0x2b5: {  	[tilespmem:s8], [sflag:$0x2] =	stream.linear.gather [hbm4b:s20+s19], $0x4000, $0x38;
	[tilespmem:$0x1C000] =	vst v63  }
0x2b6: {  	_ =	swait.ge [sflag:s9], $0x4000  }
0x2b7: {  	[sflag:s9] =	ssyncset.done $0x0  }
0x2b8: {  	s17 =	simm.s32 $0x0;
	[sflag:s9] =	ssyncadd.s32 $0xFFFFC000  }
0x2b9: {  	v0 =	vld [tilespmem:s17+$0x40F0]  }
0x2ba: {  	v1 =	vld [tilespmem:s17+$0x4000]  }
0x2bb: {  	v2 =	vld [tilespmem:s17+$0x4010]  }
0x2bc: {  	v3 =	vld [tilespmem:s17+$0x4020]  }
0x2bd: {  	v4 =	vld [tilespmem:s17+$0x4030]  }
0x2be: {  	v5 =	vld [tilespmem:s17+$0x4040]  }
0x2bf: {  	v6 =	vld [tilespmem:s17+$0x4050]  }
0x2c0: {  	v7 =	vld [tilespmem:s17+$0x4060]  }
0x2c1: {  	v8 =	vld [tilespmem:s17+$0x4070]  }
0x2c2: {  	v9 =	vld [tilespmem:s17+$0x4080]  }
0x2c3: {  	v10 =	vld [tilespmem:s17+$0x4090]  }
0x2c4: {  	v11 =	vld [tilespmem:s17+$0x40A0]  }
0x2c5: {  	v12 =	vld [tilespmem:s17+$0x40B0]  }
0x2c6: {  	v13 =	vld [tilespmem:s17+$0x40C0]  }
0x2c7: {  	v14 =	vld [tilespmem:s17+$0x40D0]  }
0x2c8: {  	[tilespmem:s17+$0x100F0] =	vst.add.f32.msk $0xffff, v0  }
0x2c9: {  	v0 =	vld [tilespmem:s17+$0x40E0]  }
0x2ca: {  	[tilespmem:s17+$0x10000] =	vst.add.f32.msk $0xffff, v1  }
0x2cb: {  	[tilespmem:s17+$0x10010] =	vst.add.f32.msk $0xffff, v2  }
0x2cc: {  	[tilespmem:s17+$0x10020] =	vst.add.f32.msk $0xffff, v3  }
0x2cd: {  	[tilespmem:s17+$0x10030] =	vst.add.f32.msk $0xffff, v4  }
0x2ce: {  	[tilespmem:s17+$0x10040] =	vst.add.f32.msk $0xffff, v5  }
0x2cf: {  	[tilespmem:s17+$0x10050] =	vst.add.f32.msk $0xffff, v6  }
0x2d0: {  	[tilespmem:s17+$0x10060] =	vst.add.f32.msk $0xffff, v7  }
0x2d1: {  	[tilespmem:s17+$0x10070] =	vst.add.f32.msk $0xffff, v8  }
0x2d2: {  	[tilespmem:s17+$0x10080] =	vst.add.f32.msk $0xffff, v9  }
0x2d3: {  	[tilespmem:s17+$0x10090] =	vst.add.f32.msk $0xffff, v10  }
0x2d4: {  	[tilespmem:s17+$0x100A0] =	vst.add.f32.msk $0xffff, v11  }
0x2d5: {  	[tilespmem:s17+$0x100B0] =	vst.add.f32.msk $0xffff, v12  }
0x2d6: {  	[tilespmem:s17+$0x100C0] =	vst.add.f32.msk $0xffff, v13  }
0x2d7: {  	s18 =	simm.s32 $0x0;
	s19 =	simm.s32 $0x400;
	[tilespmem:s17+$0x100D0] =	vst.add.f32.msk $0xffff, v14  }
.LBB2_20:
0x2d8: {  	s18 =	sadd.s32 $0x100, s18;
	[tilespmem:s17+$0x100E0] =	vst.add.f32.msk $0xffff, v0;
	s17 =	sshra.s32 s19, $0x2  }
0x2d9: {  	v0 =	vld [tilespmem:s17+$0x40F0];
	p0 =	slt.u32 s18, $0x3F00  }
0x2da: {  	v1 =	vld [tilespmem:s17+$0x4000]  }
0x2db: {  	v2 =	vld [tilespmem:s17+$0x4010]  }
0x2dc: {  	v3 =	vld [tilespmem:s17+$0x4020]  }
0x2dd: {  	v4 =	vld [tilespmem:s17+$0x4030]  }
0x2de: {  	[tilespmem:s17+$0x100F0] =	vst.add.f32.msk $0xffff, v0  }
0x2df: {  	v5 =	vld [tilespmem:s17+$0x4040]  }
0x2e0: {  	v6 =	vld [tilespmem:s17+$0x4050]  }
0x2e1: {  	v7 =	vld [tilespmem:s17+$0x4060]  }
0x2e2: {  	v8 =	vld [tilespmem:s17+$0x4070]  }
0x2e3: {  	v9 =	vld [tilespmem:s17+$0x4080]  }
0x2e4: {  	v10 =	vld [tilespmem:s17+$0x4090]  }
0x2e5: {  	v11 =	vld [tilespmem:s17+$0x40A0]  }
0x2e6: {  	v12 =	vld [tilespmem:s17+$0x40B0]  }
0x2e7: {  	v13 =	vld [tilespmem:s17+$0x40C0]  }
0x2e8: {  	v14 =	vld [tilespmem:s17+$0x40D0]  }
0x2e9: {  	v0 =	vld [tilespmem:s17+$0x40E0]  }
0x2ea: {  	[tilespmem:s17+$0x10000] =	vst.add.f32.msk $0xffff, v1  }
0x2eb: {  	[tilespmem:s17+$0x10010] =	vst.add.f32.msk $0xffff, v2  }
0x2ec: {  	[tilespmem:s17+$0x10020] =	vst.add.f32.msk $0xffff, v3  }
0x2ed: {  	[tilespmem:s17+$0x10030] =	vst.add.f32.msk $0xffff, v4  }
0x2ee: {  	[tilespmem:s17+$0x10040] =	vst.add.f32.msk $0xffff, v5  }
0x2ef: {  	[tilespmem:s17+$0x10050] =	vst.add.f32.msk $0xffff, v6  }
0x2f0: {  	[tilespmem:s17+$0x10060] =	vst.add.f32.msk $0xffff, v7  }
0x2f1: {  	[tilespmem:s17+$0x10070] =	vst.add.f32.msk $0xffff, v8  }
0x2f2: {  	[tilespmem:s17+$0x10080] =	vst.add.f32.msk $0xffff, v9  }
.Ltmp9:
0x2f3: {  	[tilespmem:s17+$0x10090] =	vst.add.f32.msk $0xffff, v10;
	(pc) =	sbr.rel @p0 .LBB2_20-.Ltmp9, $4  }
0x2f4: {  	[tilespmem:s17+$0x100A0] =	vst.add.f32.msk $0xffff, v11  }
0x2f5: {  	[tilespmem:s17+$0x100B0] =	vst.add.f32.msk $0xffff, v12  }
0x2f6: {  	[tilespmem:s17+$0x100C0] =	vst.add.f32.msk $0xffff, v13  }
0x2f7: {  	s19 =	sadd.s32 $0x400, s19;
	[tilespmem:s17+$0x100D0] =	vst.add.f32.msk $0xffff, v14  }
0x2f8: {  	[tilespmem:s17+$0x100E0] =	vst.add.f32.msk $0xffff, v0  }
0x2f9: {  	s19 =	simm.s32 $0x0;
	s18 =	rddreg [dreg:$0x14]  }
0x2fa: {  	[hbm4b:s18+s19] =	stream.linear.scatter [tilespmem:s7], [sflag:$0x4], $0x4000, $0x38;
	[tilespmem:$0x1C000] =	vst v63  }
0x2fb: {  	_ =	swait.ge [sflag:s15], $0x4000  }
0x2fc: {  	[sflag:s15] =	ssyncset.done $0x0  }
0x2fd: {  	[sflag:s15] =	ssyncadd.s32 $0xFFFFC000  }
0x2fe: {  	[tilespmem:s10], [sflag:$0x3] =	stream.linear.gather [hbm4b:s22+s19], $0x4000, $0x38;
	[tilespmem:$0x1C000] =	vst v63  }
0x2ff: {  	_ =	swait.ge [sflag:s11], $0x4000  }
0x300: {  	[sflag:s11] =	ssyncset.done $0x0  }
0x301: {  	s17 =	simm.s32 $0x0;
	[sflag:s11] =	ssyncadd.s32 $0xFFFFC000  }
0x302: {  	v0 =	vld [tilespmem:s17+$0x80F0]  }
0x303: {  	v1 =	vld [tilespmem:s17+$0x8000]  }
0x304: {  	v2 =	vld [tilespmem:s17+$0x8010]  }
0x305: {  	v3 =	vld [tilespmem:s17+$0x8020]  }
0x306: {  	v4 =	vld [tilespmem:s17+$0x8030]  }
0x307: {  	v5 =	vld [tilespmem:s17+$0x8040]  }
0x308: {  	v6 =	vld [tilespmem:s17+$0x8050]  }
0x309: {  	v7 =	vld [tilespmem:s17+$0x8060]  }
0x30a: {  	v8 =	vld [tilespmem:s17+$0x8070]  }
0x30b: {  	v9 =	vld [tilespmem:s17+$0x8080]  }
0x30c: {  	v10 =	vld [tilespmem:s17+$0x8090]  }
0x30d: {  	v11 =	vld [tilespmem:s17+$0x80A0]  }
0x30e: {  	v12 =	vld [tilespmem:s17+$0x80B0]  }
0x30f: {  	v13 =	vld [tilespmem:s17+$0x80C0]  }
0x310: {  	v14 =	vld [tilespmem:s17+$0x80D0]  }
0x311: {  	[tilespmem:s17+$0x140F0] =	vst.add.f32.msk $0xffff, v0  }
0x312: {  	v0 =	vld [tilespmem:s17+$0x80E0]  }
0x313: {  	[tilespmem:s17+$0x14000] =	vst.add.f32.msk $0xffff, v1  }
0x314: {  	[tilespmem:s17+$0x14010] =	vst.add.f32.msk $0xffff, v2  }
0x315: {  	[tilespmem:s17+$0x14020] =	vst.add.f32.msk $0xffff, v3  }
0x316: {  	[tilespmem:s17+$0x14030] =	vst.add.f32.msk $0xffff, v4  }
0x317: {  	[tilespmem:s17+$0x14040] =	vst.add.f32.msk $0xffff, v5  }
0x318: {  	[tilespmem:s17+$0x14050] =	vst.add.f32.msk $0xffff, v6  }
0x319: {  	[tilespmem:s17+$0x14060] =	vst.add.f32.msk $0xffff, v7  }
0x31a: {  	[tilespmem:s17+$0x14070] =	vst.add.f32.msk $0xffff, v8  }
0x31b: {  	[tilespmem:s17+$0x14080] =	vst.add.f32.msk $0xffff, v9  }
0x31c: {  	[tilespmem:s17+$0x14090] =	vst.add.f32.msk $0xffff, v10  }
0x31d: {  	[tilespmem:s17+$0x140A0] =	vst.add.f32.msk $0xffff, v11  }
0x31e: {  	[tilespmem:s17+$0x140B0] =	vst.add.f32.msk $0xffff, v12  }
0x31f: {  	[tilespmem:s17+$0x140C0] =	vst.add.f32.msk $0xffff, v13  }
0x320: {  	s18 =	simm.s32 $0x0;
	s19 =	simm.s32 $0x400;
	[tilespmem:s17+$0x140D0] =	vst.add.f32.msk $0xffff, v14  }
.LBB2_22:
0x321: {  	s18 =	sadd.s32 $0x100, s18;
	[tilespmem:s17+$0x140E0] =	vst.add.f32.msk $0xffff, v0;
	s17 =	sshra.s32 s19, $0x2  }
0x322: {  	v0 =	vld [tilespmem:s17+$0x80F0];
	p0 =	slt.u32 s18, $0x3F00  }
0x323: {  	v1 =	vld [tilespmem:s17+$0x8000]  }
0x324: {  	v2 =	vld [tilespmem:s17+$0x8010]  }
0x325: {  	v3 =	vld [tilespmem:s17+$0x8020]  }
0x326: {  	v4 =	vld [tilespmem:s17+$0x8030]  }
0x327: {  	[tilespmem:s17+$0x140F0] =	vst.add.f32.msk $0xffff, v0  }
0x328: {  	v5 =	vld [tilespmem:s17+$0x8040]  }
0x329: {  	v6 =	vld [tilespmem:s17+$0x8050]  }
0x32a: {  	v7 =	vld [tilespmem:s17+$0x8060]  }
0x32b: {  	v8 =	vld [tilespmem:s17+$0x8070]  }
0x32c: {  	v9 =	vld [tilespmem:s17+$0x8080]  }
0x32d: {  	v10 =	vld [tilespmem:s17+$0x8090]  }
0x32e: {  	v11 =	vld [tilespmem:s17+$0x80A0]  }
0x32f: {  	v12 =	vld [tilespmem:s17+$0x80B0]  }
0x330: {  	v13 =	vld [tilespmem:s17+$0x80C0]  }
0x331: {  	v14 =	vld [tilespmem:s17+$0x80D0]  }
0x332: {  	v0 =	vld [tilespmem:s17+$0x80E0]  }
0x333: {  	[tilespmem:s17+$0x14000] =	vst.add.f32.msk $0xffff, v1  }
0x334: {  	[tilespmem:s17+$0x14010] =	vst.add.f32.msk $0xffff, v2  }
0x335: {  	[tilespmem:s17+$0x14020] =	vst.add.f32.msk $0xffff, v3  }
0x336: {  	[tilespmem:s17+$0x14030] =	vst.add.f32.msk $0xffff, v4  }
0x337: {  	[tilespmem:s17+$0x14040] =	vst.add.f32.msk $0xffff, v5  }
0x338: {  	[tilespmem:s17+$0x14050] =	vst.add.f32.msk $0xffff, v6  }
0x339: {  	[tilespmem:s17+$0x14060] =	vst.add.f32.msk $0xffff, v7  }
0x33a: {  	[tilespmem:s17+$0x14070] =	vst.add.f32.msk $0xffff, v8  }
0x33b: {  	[tilespmem:s17+$0x14080] =	vst.add.f32.msk $0xffff, v9  }
.Ltmp10:
0x33c: {  	[tilespmem:s17+$0x14090] =	vst.add.f32.msk $0xffff, v10;
	(pc) =	sbr.rel @p0 .LBB2_22-.Ltmp10, $4  }
0x33d: {  	[tilespmem:s17+$0x140A0] =	vst.add.f32.msk $0xffff, v11  }
0x33e: {  	[tilespmem:s17+$0x140B0] =	vst.add.f32.msk $0xffff, v12  }
0x33f: {  	[tilespmem:s17+$0x140C0] =	vst.add.f32.msk $0xffff, v13  }
0x340: {  	s19 =	sadd.s32 $0x400, s19;
	[tilespmem:s17+$0x140D0] =	vst.add.f32.msk $0xffff, v14  }
0x341: {  	[tilespmem:s17+$0x140E0] =	vst.add.f32.msk $0xffff, v0;
	s19 =	simm.s32 $0x0  }
0x342: {  	[hbm4b:s21+s19] =	stream.linear.scatter [tilespmem:s8], [sflag:$0x5], $0x4000, $0x38;
	[tilespmem:$0x1C000] =	vst v63  }
0x343: {  	_ =	swait.ge [sflag:s12], $0x4000  }
0x344: {  	[sflag:s12] =	ssyncset.done $0x0  }
0x345: {  	[sflag:s12] =	ssyncadd.s32 $0xFFFFC000  }
0x346: {  	[tilespmem:s7], [sflag:$0x1] =	stream.linear.gather [hbm4b:s24+s19], $0x4000, $0x38;
	[tilespmem:$0x1C000] =	vst v63  }
0x347: {  	_ =	swait.ge [sflag:s13], $0x4000  }
0x348: {  	[sflag:s13] =	ssyncset.done $0x0  }
0x349: {  	s17 =	simm.s32 $0x0;
	[sflag:s13] =	ssyncadd.s32 $0xFFFFC000  }
0x34a: {  	v0 =	vld [tilespmem:s17+$0xC0F0]  }
0x34b: {  	v1 =	vld [tilespmem:s17+$0xC000]  }
0x34c: {  	v2 =	vld [tilespmem:s17+$0xC010]  }
0x34d: {  	v3 =	vld [tilespmem:s17+$0xC020]  }
0x34e: {  	v4 =	vld [tilespmem:s17+$0xC030]  }
0x34f: {  	v5 =	vld [tilespmem:s17+$0xC040]  }
0x350: {  	v6 =	vld [tilespmem:s17+$0xC050]  }
0x351: {  	v7 =	vld [tilespmem:s17+$0xC060]  }
0x352: {  	v8 =	vld [tilespmem:s17+$0xC070]  }
0x353: {  	v9 =	vld [tilespmem:s17+$0xC080]  }
0x354: {  	v10 =	vld [tilespmem:s17+$0xC090]  }
0x355: {  	v11 =	vld [tilespmem:s17+$0xC0A0]  }
0x356: {  	v12 =	vld [tilespmem:s17+$0xC0B0]  }
0x357: {  	v13 =	vld [tilespmem:s17+$0xC0C0]  }
0x358: {  	v14 =	vld [tilespmem:s17+$0xC0D0]  }
0x359: {  	[tilespmem:s17+$0x180F0] =	vst.add.f32.msk $0xffff, v0  }
0x35a: {  	v0 =	vld [tilespmem:s17+$0xC0E0]  }
0x35b: {  	[tilespmem:s17+$0x18000] =	vst.add.f32.msk $0xffff, v1  }
0x35c: {  	[tilespmem:s17+$0x18010] =	vst.add.f32.msk $0xffff, v2  }
0x35d: {  	[tilespmem:s17+$0x18020] =	vst.add.f32.msk $0xffff, v3  }
0x35e: {  	[tilespmem:s17+$0x18030] =	vst.add.f32.msk $0xffff, v4  }
0x35f: {  	[tilespmem:s17+$0x18040] =	vst.add.f32.msk $0xffff, v5  }
0x360: {  	[tilespmem:s17+$0x18050] =	vst.add.f32.msk $0xffff, v6  }
0x361: {  	[tilespmem:s17+$0x18060] =	vst.add.f32.msk $0xffff, v7  }
0x362: {  	[tilespmem:s17+$0x18070] =	vst.add.f32.msk $0xffff, v8  }
0x363: {  	[tilespmem:s17+$0x18080] =	vst.add.f32.msk $0xffff, v9  }
0x364: {  	[tilespmem:s17+$0x18090] =	vst.add.f32.msk $0xffff, v10  }
0x365: {  	[tilespmem:s17+$0x180A0] =	vst.add.f32.msk $0xffff, v11  }
0x366: {  	[tilespmem:s17+$0x180B0] =	vst.add.f32.msk $0xffff, v12  }
0x367: {  	[tilespmem:s17+$0x180C0] =	vst.add.f32.msk $0xffff, v13  }
0x368: {  	s18 =	simm.s32 $0x0;
	s19 =	simm.s32 $0x400;
	[tilespmem:s17+$0x180D0] =	vst.add.f32.msk $0xffff, v14  }
.LBB2_24:
0x369: {  	s18 =	sadd.s32 $0x100, s18;
	[tilespmem:s17+$0x180E0] =	vst.add.f32.msk $0xffff, v0;
	s17 =	sshra.s32 s19, $0x2  }
0x36a: {  	v0 =	vld [tilespmem:s17+$0xC0F0];
	p0 =	slt.u32 s18, $0x3F00  }
0x36b: {  	v1 =	vld [tilespmem:s17+$0xC000]  }
0x36c: {  	v2 =	vld [tilespmem:s17+$0xC010]  }
0x36d: {  	v3 =	vld [tilespmem:s17+$0xC020]  }
0x36e: {  	v4 =	vld [tilespmem:s17+$0xC030]  }
0x36f: {  	[tilespmem:s17+$0x180F0] =	vst.add.f32.msk $0xffff, v0  }
0x370: {  	v5 =	vld [tilespmem:s17+$0xC040]  }
0x371: {  	v6 =	vld [tilespmem:s17+$0xC050]  }
0x372: {  	v7 =	vld [tilespmem:s17+$0xC060]  }
0x373: {  	v8 =	vld [tilespmem:s17+$0xC070]  }
0x374: {  	v9 =	vld [tilespmem:s17+$0xC080]  }
0x375: {  	v10 =	vld [tilespmem:s17+$0xC090]  }
0x376: {  	v11 =	vld [tilespmem:s17+$0xC0A0]  }
0x377: {  	v12 =	vld [tilespmem:s17+$0xC0B0]  }
0x378: {  	v13 =	vld [tilespmem:s17+$0xC0C0]  }
0x379: {  	v14 =	vld [tilespmem:s17+$0xC0D0]  }
0x37a: {  	v0 =	vld [tilespmem:s17+$0xC0E0]  }
0x37b: {  	[tilespmem:s17+$0x18000] =	vst.add.f32.msk $0xffff, v1  }
0x37c: {  	[tilespmem:s17+$0x18010] =	vst.add.f32.msk $0xffff, v2  }
0x37d: {  	[tilespmem:s17+$0x18020] =	vst.add.f32.msk $0xffff, v3  }
0x37e: {  	[tilespmem:s17+$0x18030] =	vst.add.f32.msk $0xffff, v4  }
0x37f: {  	[tilespmem:s17+$0x18040] =	vst.add.f32.msk $0xffff, v5  }
0x380: {  	[tilespmem:s17+$0x18050] =	vst.add.f32.msk $0xffff, v6  }
0x381: {  	[tilespmem:s17+$0x18060] =	vst.add.f32.msk $0xffff, v7  }
0x382: {  	[tilespmem:s17+$0x18070] =	vst.add.f32.msk $0xffff, v8  }
0x383: {  	[tilespmem:s17+$0x18080] =	vst.add.f32.msk $0xffff, v9  }
.Ltmp11:
0x384: {  	[tilespmem:s17+$0x18090] =	vst.add.f32.msk $0xffff, v10;
	(pc) =	sbr.rel @p0 .LBB2_24-.Ltmp11, $4  }
0x385: {  	[tilespmem:s17+$0x180A0] =	vst.add.f32.msk $0xffff, v11  }
0x386: {  	[tilespmem:s17+$0x180B0] =	vst.add.f32.msk $0xffff, v12  }
0x387: {  	[tilespmem:s17+$0x180C0] =	vst.add.f32.msk $0xffff, v13  }
0x388: {  	s19 =	sadd.s32 $0x400, s19;
	[tilespmem:s17+$0x180D0] =	vst.add.f32.msk $0xffff, v14  }
0x389: {  	[tilespmem:s17+$0x180E0] =	vst.add.f32.msk $0xffff, v0;
	s19 =	simm.s32 $0x0  }
0x38a: {  	[hbm4b:s23+s19] =	stream.linear.scatter [tilespmem:s10], [sflag:$0x6], $0x4000, $0x38;
	[tilespmem:$0x1C000] =	vst v63  }
0x38b: {  	_ =	swait.ge [sflag:s14], $0x4000  }
0x38c: {  	[sflag:s14] =	ssyncset.done $0x0  }
0x38d: {  	[sflag:s14] =	ssyncadd.s32 $0xFFFFC000  }
0x38e: {  	[tilespmem:s8], [sflag:$0x2] =	stream.linear.gather [hbm4b:s26+s19], $0x4000, $0x38;
	[tilespmem:$0x1C000] =	vst v63  }
0x38f: {  	_ =	swait.ge [sflag:s9], $0x4000  }
0x390: {  	[sflag:s9] =	ssyncset.done $0x0  }
0x391: {  	s17 =	simm.s32 $0x0;
	[sflag:s9] =	ssyncadd.s32 $0xFFFFC000  }
0x392: {  	v0 =	vld [tilespmem:s17+$0xF0]  }
0x393: {  	v1 =	vld [tilespmem:s17+$0x0]  }
0x394: {  	v2 =	vld [tilespmem:s17+$0x10]  }
0x395: {  	v3 =	vld [tilespmem:s17+$0x20]  }
0x396: {  	v4 =	vld [tilespmem:s17+$0x30]  }
0x397: {  	v5 =	vld [tilespmem:s17+$0x40]  }
0x398: {  	v6 =	vld [tilespmem:s17+$0x50]  }
0x399: {  	v7 =	vld [tilespmem:s17+$0x60]  }
0x39a: {  	v8 =	vld [tilespmem:s17+$0x70]  }
0x39b: {  	v9 =	vld [tilespmem:s17+$0x80]  }
0x39c: {  	v10 =	vld [tilespmem:s17+$0x90]  }
0x39d: {  	v11 =	vld [tilespmem:s17+$0xA0]  }
0x39e: {  	v12 =	vld [tilespmem:s17+$0xB0]  }
0x39f: {  	v13 =	vld [tilespmem:s17+$0xC0]  }
0x3a0: {  	v14 =	vld [tilespmem:s17+$0xD0]  }
0x3a1: {  	[tilespmem:s17+$0x100F0] =	vst.add.f32.msk $0xffff, v0  }
0x3a2: {  	v0 =	vld [tilespmem:s17+$0xE0]  }
0x3a3: {  	[tilespmem:s17+$0x10000] =	vst.add.f32.msk $0xffff, v1  }
0x3a4: {  	[tilespmem:s17+$0x10010] =	vst.add.f32.msk $0xffff, v2  }
0x3a5: {  	[tilespmem:s17+$0x10020] =	vst.add.f32.msk $0xffff, v3  }
0x3a6: {  	[tilespmem:s17+$0x10030] =	vst.add.f32.msk $0xffff, v4  }
0x3a7: {  	[tilespmem:s17+$0x10040] =	vst.add.f32.msk $0xffff, v5  }
0x3a8: {  	[tilespmem:s17+$0x10050] =	vst.add.f32.msk $0xffff, v6  }
0x3a9: {  	[tilespmem:s17+$0x10060] =	vst.add.f32.msk $0xffff, v7  }
0x3aa: {  	[tilespmem:s17+$0x10070] =	vst.add.f32.msk $0xffff, v8  }
0x3ab: {  	[tilespmem:s17+$0x10080] =	vst.add.f32.msk $0xffff, v9  }
0x3ac: {  	[tilespmem:s17+$0x10090] =	vst.add.f32.msk $0xffff, v10  }
0x3ad: {  	[tilespmem:s17+$0x100A0] =	vst.add.f32.msk $0xffff, v11  }
0x3ae: {  	[tilespmem:s17+$0x100B0] =	vst.add.f32.msk $0xffff, v12  }
0x3af: {  	[tilespmem:s17+$0x100C0] =	vst.add.f32.msk $0xffff, v13  }
0x3b0: {  	s18 =	simm.s32 $0x0;
	s19 =	simm.s32 $0x400;
	[tilespmem:s17+$0x100D0] =	vst.add.f32.msk $0xffff, v14  }
.LBB2_26:
0x3b1: {  	s18 =	sadd.s32 $0x100, s18;
	[tilespmem:s17+$0x100E0] =	vst.add.f32.msk $0xffff, v0;
	s17 =	sshra.s32 s19, $0x2  }
0x3b2: {  	v0 =	vld [tilespmem:s17+$0xF0];
	p0 =	slt.u32 s18, $0x3F00  }
0x3b3: {  	v1 =	vld [tilespmem:s17+$0x0]  }
0x3b4: {  	v2 =	vld [tilespmem:s17+$0x10]  }
0x3b5: {  	v3 =	vld [tilespmem:s17+$0x20]  }
0x3b6: {  	v4 =	vld [tilespmem:s17+$0x30]  }
0x3b7: {  	[tilespmem:s17+$0x100F0] =	vst.add.f32.msk $0xffff, v0  }
0x3b8: {  	v5 =	vld [tilespmem:s17+$0x40]  }
0x3b9: {  	v6 =	vld [tilespmem:s17+$0x50]  }
0x3ba: {  	v7 =	vld [tilespmem:s17+$0x60]  }
0x3bb: {  	v8 =	vld [tilespmem:s17+$0x70]  }
0x3bc: {  	v9 =	vld [tilespmem:s17+$0x80]  }
0x3bd: {  	v10 =	vld [tilespmem:s17+$0x90]  }
0x3be: {  	v11 =	vld [tilespmem:s17+$0xA0]  }
0x3bf: {  	v12 =	vld [tilespmem:s17+$0xB0]  }
0x3c0: {  	v13 =	vld [tilespmem:s17+$0xC0]  }
0x3c1: {  	v14 =	vld [tilespmem:s17+$0xD0]  }
0x3c2: {  	v0 =	vld [tilespmem:s17+$0xE0]  }
0x3c3: {  	[tilespmem:s17+$0x10000] =	vst.add.f32.msk $0xffff, v1  }
0x3c4: {  	[tilespmem:s17+$0x10010] =	vst.add.f32.msk $0xffff, v2  }
0x3c5: {  	[tilespmem:s17+$0x10020] =	vst.add.f32.msk $0xffff, v3  }
0x3c6: {  	[tilespmem:s17+$0x10030] =	vst.add.f32.msk $0xffff, v4  }
0x3c7: {  	[tilespmem:s17+$0x10040] =	vst.add.f32.msk $0xffff, v5  }
0x3c8: {  	[tilespmem:s17+$0x10050] =	vst.add.f32.msk $0xffff, v6  }
0x3c9: {  	[tilespmem:s17+$0x10060] =	vst.add.f32.msk $0xffff, v7  }
0x3ca: {  	[tilespmem:s17+$0x10070] =	vst.add.f32.msk $0xffff, v8  }
0x3cb: {  	[tilespmem:s17+$0x10080] =	vst.add.f32.msk $0xffff, v9  }
.Ltmp12:
0x3cc: {  	[tilespmem:s17+$0x10090] =	vst.add.f32.msk $0xffff, v10;
	(pc) =	sbr.rel @p0 .LBB2_26-.Ltmp12, $4  }
0x3cd: {  	[tilespmem:s17+$0x100A0] =	vst.add.f32.msk $0xffff, v11  }
0x3ce: {  	[tilespmem:s17+$0x100B0] =	vst.add.f32.msk $0xffff, v12  }
0x3cf: {  	[tilespmem:s17+$0x100C0] =	vst.add.f32.msk $0xffff, v13  }
0x3d0: {  	s19 =	sadd.s32 $0x400, s19;
	[tilespmem:s17+$0x100D0] =	vst.add.f32.msk $0xffff, v14  }
0x3d1: {  	[tilespmem:s17+$0x100E0] =	vst.add.f32.msk $0xffff, v0;
	s19 =	simm.s32 $0x0  }
0x3d2: {  	[hbm4b:s25+s19] =	stream.linear.scatter [tilespmem:s7], [sflag:$0x4], $0x4000, $0x38;
	[tilespmem:$0x1C000] =	vst v63  }
0x3d3: {  	_ =	swait.ge [sflag:s15], $0x4000  }
0x3d4: {  	[sflag:s15] =	ssyncset.done $0x0  }
0x3d5: {  	[sflag:s15] =	ssyncadd.s32 $0xFFFFC000  }
0x3d6: {  	[tilespmem:s10], [sflag:$0x3] =	stream.linear.gather [hbm4b:s30+s19], $0x4000, $0x38;
	[tilespmem:$0x1C000] =	vst v63  }
0x3d7: {  	_ =	swait.ge [sflag:s11], $0x4000  }
0x3d8: {  	[sflag:s11] =	ssyncset.done $0x0  }
0x3d9: {  	s17 =	simm.s32 $0x0;
	[sflag:s11] =	ssyncadd.s32 $0xFFFFC000  }
0x3da: {  	v0 =	vld [tilespmem:s17+$0x40F0]  }
0x3db: {  	v1 =	vld [tilespmem:s17+$0x4000]  }
0x3dc: {  	v2 =	vld [tilespmem:s17+$0x4010]  }
0x3dd: {  	v3 =	vld [tilespmem:s17+$0x4020]  }
0x3de: {  	v4 =	vld [tilespmem:s17+$0x4030]  }
0x3df: {  	v5 =	vld [tilespmem:s17+$0x4040]  }
0x3e0: {  	v6 =	vld [tilespmem:s17+$0x4050]  }
0x3e1: {  	v7 =	vld [tilespmem:s17+$0x4060]  }
0x3e2: {  	v8 =	vld [tilespmem:s17+$0x4070]  }
0x3e3: {  	v9 =	vld [tilespmem:s17+$0x4080]  }
0x3e4: {  	v10 =	vld [tilespmem:s17+$0x4090]  }
0x3e5: {  	v11 =	vld [tilespmem:s17+$0x40A0]  }
0x3e6: {  	v12 =	vld [tilespmem:s17+$0x40B0]  }
0x3e7: {  	v13 =	vld [tilespmem:s17+$0x40C0]  }
0x3e8: {  	v14 =	vld [tilespmem:s17+$0x40D0]  }
0x3e9: {  	[tilespmem:s17+$0x140F0] =	vst.add.f32.msk $0xffff, v0  }
0x3ea: {  	v0 =	vld [tilespmem:s17+$0x40E0]  }
0x3eb: {  	[tilespmem:s17+$0x14000] =	vst.add.f32.msk $0xffff, v1  }
0x3ec: {  	[tilespmem:s17+$0x14010] =	vst.add.f32.msk $0xffff, v2  }
0x3ed: {  	[tilespmem:s17+$0x14020] =	vst.add.f32.msk $0xffff, v3  }
0x3ee: {  	[tilespmem:s17+$0x14030] =	vst.add.f32.msk $0xffff, v4  }
0x3ef: {  	[tilespmem:s17+$0x14040] =	vst.add.f32.msk $0xffff, v5  }
0x3f0: {  	[tilespmem:s17+$0x14050] =	vst.add.f32.msk $0xffff, v6  }
0x3f1: {  	[tilespmem:s17+$0x14060] =	vst.add.f32.msk $0xffff, v7  }
0x3f2: {  	[tilespmem:s17+$0x14070] =	vst.add.f32.msk $0xffff, v8  }
0x3f3: {  	[tilespmem:s17+$0x14080] =	vst.add.f32.msk $0xffff, v9  }
0x3f4: {  	[tilespmem:s17+$0x14090] =	vst.add.f32.msk $0xffff, v10  }
0x3f5: {  	[tilespmem:s17+$0x140A0] =	vst.add.f32.msk $0xffff, v11  }
0x3f6: {  	[tilespmem:s17+$0x140B0] =	vst.add.f32.msk $0xffff, v12  }
0x3f7: {  	[tilespmem:s17+$0x140C0] =	vst.add.f32.msk $0xffff, v13  }
0x3f8: {  	s18 =	simm.s32 $0x0;
	s19 =	simm.s32 $0x400;
	[tilespmem:s17+$0x140D0] =	vst.add.f32.msk $0xffff, v14  }
.LBB2_28:
0x3f9: {  	s18 =	sadd.s32 $0x100, s18;
	[tilespmem:s17+$0x140E0] =	vst.add.f32.msk $0xffff, v0;
	s17 =	sshra.s32 s19, $0x2  }
0x3fa: {  	v0 =	vld [tilespmem:s17+$0x40F0];
	p0 =	slt.u32 s18, $0x3F00  }
0x3fb: {  	v1 =	vld [tilespmem:s17+$0x4000]  }
0x3fc: {  	v2 =	vld [tilespmem:s17+$0x4010]  }
0x3fd: {  	v3 =	vld [tilespmem:s17+$0x4020]  }
0x3fe: {  	v4 =	vld [tilespmem:s17+$0x4030]  }
0x3ff: {  	[tilespmem:s17+$0x140F0] =	vst.add.f32.msk $0xffff, v0  }
0x400: {  	v5 =	vld [tilespmem:s17+$0x4040]  }
0x401: {  	v6 =	vld [tilespmem:s17+$0x4050]  }
0x402: {  	v7 =	vld [tilespmem:s17+$0x4060]  }
0x403: {  	v8 =	vld [tilespmem:s17+$0x4070]  }
0x404: {  	v9 =	vld [tilespmem:s17+$0x4080]  }
0x405: {  	v10 =	vld [tilespmem:s17+$0x4090]  }
0x406: {  	v11 =	vld [tilespmem:s17+$0x40A0]  }
0x407: {  	v12 =	vld [tilespmem:s17+$0x40B0]  }
0x408: {  	v13 =	vld [tilespmem:s17+$0x40C0]  }
0x409: {  	v14 =	vld [tilespmem:s17+$0x40D0]  }
0x40a: {  	v0 =	vld [tilespmem:s17+$0x40E0]  }
0x40b: {  	[tilespmem:s17+$0x14000] =	vst.add.f32.msk $0xffff, v1  }
0x40c: {  	[tilespmem:s17+$0x14010] =	vst.add.f32.msk $0xffff, v2  }
0x40d: {  	[tilespmem:s17+$0x14020] =	vst.add.f32.msk $0xffff, v3  }
0x40e: {  	[tilespmem:s17+$0x14030] =	vst.add.f32.msk $0xffff, v4  }
0x40f: {  	[tilespmem:s17+$0x14040] =	vst.add.f32.msk $0xffff, v5  }
0x410: {  	[tilespmem:s17+$0x14050] =	vst.add.f32.msk $0xffff, v6  }
0x411: {  	[tilespmem:s17+$0x14060] =	vst.add.f32.msk $0xffff, v7  }
0x412: {  	[tilespmem:s17+$0x14070] =	vst.add.f32.msk $0xffff, v8  }
0x413: {  	[tilespmem:s17+$0x14080] =	vst.add.f32.msk $0xffff, v9  }
.Ltmp13:
0x414: {  	[tilespmem:s17+$0x14090] =	vst.add.f32.msk $0xffff, v10;
	(pc) =	sbr.rel @p0 .LBB2_28-.Ltmp13, $4  }
0x415: {  	[tilespmem:s17+$0x140A0] =	vst.add.f32.msk $0xffff, v11  }
0x416: {  	[tilespmem:s17+$0x140B0] =	vst.add.f32.msk $0xffff, v12  }
0x417: {  	[tilespmem:s17+$0x140C0] =	vst.add.f32.msk $0xffff, v13  }
0x418: {  	s19 =	sadd.s32 $0x400, s19;
	[tilespmem:s17+$0x140D0] =	vst.add.f32.msk $0xffff, v14  }
0x419: {  	[tilespmem:s17+$0x140E0] =	vst.add.f32.msk $0xffff, v0;
	s19 =	simm.s32 $0x0  }
0x41a: {  	[hbm4b:s28+s19] =	stream.linear.scatter [tilespmem:s8], [sflag:$0x5], $0x4000, $0x38;
	[tilespmem:$0x1C000] =	vst v63  }
0x41b: {  	_ =	swait.ge [sflag:s12], $0x4000  }
0x41c: {  	[sflag:s12] =	ssyncset.done $0x0  }
0x41d: {  	[sflag:s12] =	ssyncadd.s32 $0xFFFFC000  }
0x41e: {  	[tilespmem:s7], [sflag:$0x1] =	stream.linear.gather [hbm4b:s0+s19], $0x4000, $0x38;
	[tilespmem:$0x1C000] =	vst v63  }
0x41f: {  	_ =	swait.ge [sflag:s13], $0x4000  }
0x420: {  	[sflag:s13] =	ssyncset.done $0x0  }
0x421: {  	s17 =	simm.s32 $0x0;
	[sflag:s13] =	ssyncadd.s32 $0xFFFFC000  }
0x422: {  	v0 =	vld [tilespmem:s17+$0x80F0]  }
0x423: {  	v1 =	vld [tilespmem:s17+$0x8000]  }
0x424: {  	v2 =	vld [tilespmem:s17+$0x8010]  }
0x425: {  	v3 =	vld [tilespmem:s17+$0x8020]  }
0x426: {  	v4 =	vld [tilespmem:s17+$0x8030]  }
0x427: {  	v5 =	vld [tilespmem:s17+$0x8040]  }
0x428: {  	v6 =	vld [tilespmem:s17+$0x8050]  }
0x429: {  	v7 =	vld [tilespmem:s17+$0x8060]  }
0x42a: {  	v8 =	vld [tilespmem:s17+$0x8070]  }
0x42b: {  	v9 =	vld [tilespmem:s17+$0x8080]  }
0x42c: {  	v10 =	vld [tilespmem:s17+$0x8090]  }
0x42d: {  	v11 =	vld [tilespmem:s17+$0x80A0]  }
0x42e: {  	v12 =	vld [tilespmem:s17+$0x80B0]  }
0x42f: {  	v13 =	vld [tilespmem:s17+$0x80C0]  }
0x430: {  	v14 =	vld [tilespmem:s17+$0x80D0]  }
0x431: {  	[tilespmem:s17+$0x180F0] =	vst.add.f32.msk $0xffff, v0  }
0x432: {  	v0 =	vld [tilespmem:s17+$0x80E0]  }
0x433: {  	[tilespmem:s17+$0x18000] =	vst.add.f32.msk $0xffff, v1  }
0x434: {  	[tilespmem:s17+$0x18010] =	vst.add.f32.msk $0xffff, v2  }
0x435: {  	[tilespmem:s17+$0x18020] =	vst.add.f32.msk $0xffff, v3  }
0x436: {  	[tilespmem:s17+$0x18030] =	vst.add.f32.msk $0xffff, v4  }
0x437: {  	[tilespmem:s17+$0x18040] =	vst.add.f32.msk $0xffff, v5  }
0x438: {  	[tilespmem:s17+$0x18050] =	vst.add.f32.msk $0xffff, v6  }
0x439: {  	[tilespmem:s17+$0x18060] =	vst.add.f32.msk $0xffff, v7  }
0x43a: {  	[tilespmem:s17+$0x18070] =	vst.add.f32.msk $0xffff, v8  }
0x43b: {  	[tilespmem:s17+$0x18080] =	vst.add.f32.msk $0xffff, v9  }
0x43c: {  	[tilespmem:s17+$0x18090] =	vst.add.f32.msk $0xffff, v10  }
0x43d: {  	[tilespmem:s17+$0x180A0] =	vst.add.f32.msk $0xffff, v11  }
0x43e: {  	[tilespmem:s17+$0x180B0] =	vst.add.f32.msk $0xffff, v12  }
0x43f: {  	[tilespmem:s17+$0x180C0] =	vst.add.f32.msk $0xffff, v13  }
0x440: {  	s18 =	simm.s32 $0x0;
	s19 =	simm.s32 $0x400;
	[tilespmem:s17+$0x180D0] =	vst.add.f32.msk $0xffff, v14  }
.LBB2_30:
0x441: {  	s18 =	sadd.s32 $0x100, s18;
	[tilespmem:s17+$0x180E0] =	vst.add.f32.msk $0xffff, v0;
	s17 =	sshra.s32 s19, $0x2  }
0x442: {  	v0 =	vld [tilespmem:s17+$0x80F0];
	p0 =	slt.u32 s18, $0x3F00  }
0x443: {  	v1 =	vld [tilespmem:s17+$0x8000]  }
0x444: {  	v2 =	vld [tilespmem:s17+$0x8010]  }
0x445: {  	v3 =	vld [tilespmem:s17+$0x8020]  }
0x446: {  	v4 =	vld [tilespmem:s17+$0x8030]  }
0x447: {  	[tilespmem:s17+$0x180F0] =	vst.add.f32.msk $0xffff, v0  }
0x448: {  	v5 =	vld [tilespmem:s17+$0x8040]  }
0x449: {  	v6 =	vld [tilespmem:s17+$0x8050]  }
0x44a: {  	v7 =	vld [tilespmem:s17+$0x8060]  }
0x44b: {  	v8 =	vld [tilespmem:s17+$0x8070]  }
0x44c: {  	v9 =	vld [tilespmem:s17+$0x8080]  }
0x44d: {  	v10 =	vld [tilespmem:s17+$0x8090]  }
0x44e: {  	v11 =	vld [tilespmem:s17+$0x80A0]  }
0x44f: {  	v12 =	vld [tilespmem:s17+$0x80B0]  }
0x450: {  	v13 =	vld [tilespmem:s17+$0x80C0]  }
0x451: {  	v14 =	vld [tilespmem:s17+$0x80D0]  }
0x452: {  	v0 =	vld [tilespmem:s17+$0x80E0]  }
0x453: {  	[tilespmem:s17+$0x18000] =	vst.add.f32.msk $0xffff, v1  }
0x454: {  	[tilespmem:s17+$0x18010] =	vst.add.f32.msk $0xffff, v2  }
0x455: {  	[tilespmem:s17+$0x18020] =	vst.add.f32.msk $0xffff, v3  }
0x456: {  	[tilespmem:s17+$0x18030] =	vst.add.f32.msk $0xffff, v4  }
0x457: {  	[tilespmem:s17+$0x18040] =	vst.add.f32.msk $0xffff, v5  }
0x458: {  	[tilespmem:s17+$0x18050] =	vst.add.f32.msk $0xffff, v6  }
0x459: {  	[tilespmem:s17+$0x18060] =	vst.add.f32.msk $0xffff, v7  }
0x45a: {  	[tilespmem:s17+$0x18070] =	vst.add.f32.msk $0xffff, v8  }
0x45b: {  	[tilespmem:s17+$0x18080] =	vst.add.f32.msk $0xffff, v9  }
.Ltmp14:
0x45c: {  	[tilespmem:s17+$0x18090] =	vst.add.f32.msk $0xffff, v10;
	(pc) =	sbr.rel @p0 .LBB2_30-.Ltmp14, $4  }
0x45d: {  	[tilespmem:s17+$0x180A0] =	vst.add.f32.msk $0xffff, v11  }
0x45e: {  	[tilespmem:s17+$0x180B0] =	vst.add.f32.msk $0xffff, v12  }
0x45f: {  	[tilespmem:s17+$0x180C0] =	vst.add.f32.msk $0xffff, v13  }
0x460: {  	s19 =	sadd.s32 $0x400, s19;
	[tilespmem:s17+$0x180D0] =	vst.add.f32.msk $0xffff, v14  }
0x461: {  	[tilespmem:s17+$0x180E0] =	vst.add.f32.msk $0xffff, v0;
	s19 =	simm.s32 $0x0  }
0x462: {  	[hbm4b:s2+s19] =	stream.linear.scatter [tilespmem:s10], [sflag:$0x6], $0x4000, $0x38;
	[tilespmem:$0x1C000] =	vst v63  }
0x463: {  	_ =	swait.ge [sflag:s9], $0x4000  }
0x464: {  	[sflag:s9] =	ssyncset.done $0x0  }
0x465: {  	s17 =	simm.s32 $0x0;
	[sflag:s9] =	ssyncadd.s32 $0xFFFFC000  }
0x466: {  	v0 =	vld [tilespmem:s17+$0xC0F0]  }
0x467: {  	v1 =	vld [tilespmem:s17+$0xC000]  }
0x468: {  	v2 =	vld [tilespmem:s17+$0xC010]  }
0x469: {  	v3 =	vld [tilespmem:s17+$0xC020]  }
0x46a: {  	v4 =	vld [tilespmem:s17+$0xC030]  }
0x46b: {  	v5 =	vld [tilespmem:s17+$0xC040]  }
0x46c: {  	v6 =	vld [tilespmem:s17+$0xC050]  }
0x46d: {  	v7 =	vld [tilespmem:s17+$0xC060]  }
0x46e: {  	v8 =	vld [tilespmem:s17+$0xC070]  }
0x46f: {  	v9 =	vld [tilespmem:s17+$0xC080]  }
0x470: {  	v10 =	vld [tilespmem:s17+$0xC090]  }
0x471: {  	v11 =	vld [tilespmem:s17+$0xC0A0]  }
0x472: {  	v12 =	vld [tilespmem:s17+$0xC0B0]  }
0x473: {  	v13 =	vld [tilespmem:s17+$0xC0C0]  }
0x474: {  	v14 =	vld [tilespmem:s17+$0xC0D0]  }
0x475: {  	[tilespmem:s17+$0x100F0] =	vst.add.f32.msk $0xffff, v0  }
0x476: {  	v0 =	vld [tilespmem:s17+$0xC0E0]  }
0x477: {  	[tilespmem:s17+$0x10000] =	vst.add.f32.msk $0xffff, v1  }
0x478: {  	[tilespmem:s17+$0x10010] =	vst.add.f32.msk $0xffff, v2  }
0x479: {  	[tilespmem:s17+$0x10020] =	vst.add.f32.msk $0xffff, v3  }
0x47a: {  	[tilespmem:s17+$0x10030] =	vst.add.f32.msk $0xffff, v4  }
0x47b: {  	[tilespmem:s17+$0x10040] =	vst.add.f32.msk $0xffff, v5  }
0x47c: {  	[tilespmem:s17+$0x10050] =	vst.add.f32.msk $0xffff, v6  }
0x47d: {  	[tilespmem:s17+$0x10060] =	vst.add.f32.msk $0xffff, v7  }
0x47e: {  	[tilespmem:s17+$0x10070] =	vst.add.f32.msk $0xffff, v8  }
0x47f: {  	[tilespmem:s17+$0x10080] =	vst.add.f32.msk $0xffff, v9  }
0x480: {  	[tilespmem:s17+$0x10090] =	vst.add.f32.msk $0xffff, v10  }
0x481: {  	[tilespmem:s17+$0x100A0] =	vst.add.f32.msk $0xffff, v11  }
0x482: {  	[tilespmem:s17+$0x100B0] =	vst.add.f32.msk $0xffff, v12  }
0x483: {  	[tilespmem:s17+$0x100C0] =	vst.add.f32.msk $0xffff, v13  }
0x484: {  	s18 =	simm.s32 $0x0;
	s19 =	simm.s32 $0x400;
	[tilespmem:s17+$0x100D0] =	vst.add.f32.msk $0xffff, v14  }
.LBB2_32:
0x485: {  	s18 =	sadd.s32 $0x100, s18;
	[tilespmem:s17+$0x100E0] =	vst.add.f32.msk $0xffff, v0;
	s17 =	sshra.s32 s19, $0x2  }
0x486: {  	v0 =	vld [tilespmem:s17+$0xC0F0];
	p0 =	slt.u32 s18, $0x3F00  }
0x487: {  	v1 =	vld [tilespmem:s17+$0xC000]  }
0x488: {  	v2 =	vld [tilespmem:s17+$0xC010]  }
0x489: {  	v3 =	vld [tilespmem:s17+$0xC020]  }
0x48a: {  	v4 =	vld [tilespmem:s17+$0xC030]  }
0x48b: {  	[tilespmem:s17+$0x100F0] =	vst.add.f32.msk $0xffff, v0  }
0x48c: {  	v5 =	vld [tilespmem:s17+$0xC040]  }
0x48d: {  	v6 =	vld [tilespmem:s17+$0xC050]  }
0x48e: {  	v7 =	vld [tilespmem:s17+$0xC060]  }
0x48f: {  	v8 =	vld [tilespmem:s17+$0xC070]  }
0x490: {  	v9 =	vld [tilespmem:s17+$0xC080]  }
0x491: {  	v10 =	vld [tilespmem:s17+$0xC090]  }
0x492: {  	v11 =	vld [tilespmem:s17+$0xC0A0]  }
0x493: {  	v12 =	vld [tilespmem:s17+$0xC0B0]  }
0x494: {  	v13 =	vld [tilespmem:s17+$0xC0C0]  }
0x495: {  	v14 =	vld [tilespmem:s17+$0xC0D0]  }
0x496: {  	v0 =	vld [tilespmem:s17+$0xC0E0]  }
0x497: {  	[tilespmem:s17+$0x10000] =	vst.add.f32.msk $0xffff, v1  }
0x498: {  	[tilespmem:s17+$0x10010] =	vst.add.f32.msk $0xffff, v2  }
0x499: {  	[tilespmem:s17+$0x10020] =	vst.add.f32.msk $0xffff, v3  }
0x49a: {  	[tilespmem:s17+$0x10030] =	vst.add.f32.msk $0xffff, v4  }
0x49b: {  	[tilespmem:s17+$0x10040] =	vst.add.f32.msk $0xffff, v5  }
0x49c: {  	[tilespmem:s17+$0x10050] =	vst.add.f32.msk $0xffff, v6  }
0x49d: {  	[tilespmem:s17+$0x10060] =	vst.add.f32.msk $0xffff, v7  }
0x49e: {  	[tilespmem:s17+$0x10070] =	vst.add.f32.msk $0xffff, v8  }
0x49f: {  	[tilespmem:s17+$0x10080] =	vst.add.f32.msk $0xffff, v9  }
.Ltmp15:
0x4a0: {  	[tilespmem:s17+$0x10090] =	vst.add.f32.msk $0xffff, v10;
	(pc) =	sbr.rel @p0 .LBB2_32-.Ltmp15, $4  }
0x4a1: {  	[tilespmem:s17+$0x100A0] =	vst.add.f32.msk $0xffff, v11  }
0x4a2: {  	[tilespmem:s17+$0x100B0] =	vst.add.f32.msk $0xffff, v12  }
0x4a3: {  	[tilespmem:s17+$0x100C0] =	vst.add.f32.msk $0xffff, v13  }
0x4a4: {  	s19 =	sadd.s32 $0x400, s19;
	[tilespmem:s17+$0x100D0] =	vst.add.f32.msk $0xffff, v14  }
0x4a5: {  	[tilespmem:s17+$0x100E0] =	vst.add.f32.msk $0xffff, v0;
	s16 =	sadd.s32 $0x1, s16  }
0x4a6: {  	[hbm4b:s3+s1] =	stream.linear.scatter [tilespmem:s7], [sflag:$0x4], $0x4000, $0x38;
	[tilespmem:$0x1C000] =	vst v63  }
0x4a7: {  	p0 =	sne.s32 s16, s5;
	_ =	swait.ge [sflag:s15], $0x4000  }
.Ltmp16:
0x4a8: {  	[sflag:s15] =	ssyncset.done $0x0;
	(pc) =	sbr.rel @p0 .LBB2_1-.Ltmp16, $4  }
0x4a9: {  	[sflag:s15] =	ssyncadd.s32 $0xFFFFC000  }
0x4aa: {  	_ =	swait.ge [sflag:s12], $0x4000  }
0x4ab: {  	[sflag:s12] =	ssyncset.done $0x0  }
0x4ac: {  	[sflag:s12] =	ssyncadd.s32 $0xFFFFC000  }
0x4ad: {  	_ =	sfence.sel $0x180000  }
0x4ae: {  	[bflag:$0x0] =	sbarrier.arrive $0xFFFF  }
0x4af: {  	_ =	strace $0x9000004A  }
0x4b0: {  	s0 =	stileid.u32;
	[bflag:$0x2] =	sbarrier.arrive $0xFFFF  }
0x4b1: {  	p0 =	sne.s32 s0, $0x0;
	s0 =	rddreg [dreg:$0x2]  }
0x4b2: {  	s0 =	sadd.s32 @!p0 $0x100000, s0  }
0x4b3: {  	[sflag:s0] =	ssyncadd.tile.s32 @!p0 $0x1;
	_ =	shalt  }
.Lfunc_end2:
_tile_overlayer_lowered:
.L_overlay_start_2:
0x4b4: {  	(tag) =	ssettag $0x2  }
0x4b5: {  	s0 =	rddreg [dreg:$0x0];
	s2 =	stileid.u32  }
0x4b6: {  	s1 =	rddreg [dreg:$0x1];
	p0 =	sne.s32 s2, $0x0  }
0x4b7: {  	s3 =	rddreg [dreg:$0x2];
	[bflag:$0x3] =	sbarrier.arrive $0xFFFF;
	s2 =	simm.s32 @!p0 $0x1C07  }
0x4b8: {  	[timem:s3], [sflag:s2] =	dma.local @!p0 [hbm:s0], s1  }
0x4b9: {  	s0 =	simm.s32 @!p0 $0x7  }
0x4ba: {  	_ =	swait.ge @!p0 [sflag:s0], s1  }
0x4bb: {  	s1 =	ssub.s32 @!p0 $0x0, s1;
	[sflag:s0] =	ssyncset.done @!p0 $0x0  }
0x4bc: {  	[sflag:s0] =	ssyncadd.s32 @!p0 s1  }
0x4bd: {  	[bflag:$0x3] =	sbarrier.arrive $0xFFFF  }
0x4be: {  	_ =	shalt  }

// kernel: sparse-core-data-format-call.cloned.1.call-start
scs
called_computation_lowered:
.L_overlay_start_0:
0x0: {  	s2 =	sld [smem:$0x3FD9]  }
0x1: {  	s3 =	sld [smem:$0x3FFE];
	_ =	sdelay $0x1  }
0x2: {  	s1 =	srdreg.scid  }
0x3: {  	s0 =	sand.u32 $0x1, s1  }
0x4: {  	s19 =	sshll.u32 s0, $0xA;
	s2 =	sadd.s32 s3, s2  }
0x5: {  	s2 =	sadd.s32 s2, s19  }
0x6: {  	[smem:$0x3FC6] =	sst s2  }
0x7: {  	_ = 	snop  }
0x8: {  	s2 =	sld [smem:$0x3FC9]  }
0x9: {  	s20 =	sld [smem:$0x3FD0];
	(tm) =	ssettm $0x1  }
0xa: {  	s4 =	sld [smem:$0x3FFB];
	_ =	sdelay $0x3  }
0xb: {  	_ =	strace s4  }
0xc: {  	s4 =	sld [smem:$0x3FFC];
	_ =	sdelay $0x3  }
0xd: {  	_ =	strace s4  }
0xe: {  	s4 =	sld [smem:$0x3FFD];
	_ =	sdelay $0x3  }
0xf: {  	_ =	strace s4  }
0x10: {  	_ =	strace $0x8FFFFFFF  }
0x11: {  	s21 =	sld [smem:$0x3FDB];
	_ =	sdelay $0x1  }
0x12: {  	s5 =	simm.s32 $_scs_section_size  }
0x13: {  	s6 =	simm.s32 $_size__tile_overlayer_lowered;
	s7 =	simm.s32 $_tile_overlayer_lowered  }
0x14: {  	s24 =	simm.s32 $0x1BFF;
	s23 =	sshll.u32 s7, $0x1;
	s4 =	sadd.s32 s5, s21  }
0x15: {  	s8 =	simm.s32 $0x0;
	s22 =	sshll.u32 s6, $0x1;
	s6 =	sadd.s32 s23, s4  }
0x16: {  	[timem:s8], [sflag:s24] =	dma.local [hbm:s6], s22  }
0x17: {  	_ =	swait.ge [sflag:s24], s22  }
0x18: {  	s5 =	ssub.s32 $0x0, s22;
	[sflag:s24] =	ssyncset.done $0x0  }
0x19: {  	[sflag:s24] =	ssyncadd.s32 s5;
	_ =	sdelay $0x1  }
0x1a: {  	s25 =	simm.s32 $0x1B8B  }
0x1b: {  	_ =	swait.ge [sflag:s25], $0x1  }
0x1c: {  	[sflag:s25] =	ssyncset.done $0x0  }
0x1d: {  	s26 =	simm.s32 $0x1B8E;
	[sflag:s25] =	ssyncadd.s32 $0xFFFFFFFF  }
0x1e: {  	s27 =	simm.s32 $execute0_lowered;
	[smem:$0x3FD2] =	sst s26  }
0x1f: {  	s5 =	sshll.u32 s27, $0x1;
	_ =	strace $0x80000046;
	[dreg:$0x1] =	wrdreg $0xFFFFFFFF  }
0x20: {  	s28 =	simm.s32 $_size_execute0_lowered;
	s4 =	sadd.s32 s4, s5;
	[dreg:$0x0] =	wrdreg $0x0  }
0x21: {  	s5 =	sshll.u32 s28, $0x1;
	[dreg:$0x2] =	wrdreg s4  }
0x22: {  	[dreg:$0x3] =	wrdreg s5  }
0x23: {  	[dreg:$0x4] =	wrdreg $0xC0  }
0x24: {  	_ =	task [dreg:s8], $0x5FFFF  }
0x25: {  	[dreg:$0x1] =	wrdreg $0xFFFFFFFF  }
0x26: {  	[dreg:$0x0] =	wrdreg $0x60  }
0x27: {  	[dreg:$0x2] =	wrdreg s2  }
0x28: {  	[dreg:$0x3] =	wrdreg s20  }
0x29: {  	[dreg:$0x4] =	wrdreg $0x9  }
0x2a: {  	_ =	task.clear_ibuf [dreg:s8], $0x5FFFF;
	_ =	strace $0x90000046  }
0x2b: {  	s29 =	simm.s32 $0x9;
	_ =	strace $0x80000048  }
0x2c: {  	_ =	swait.ge [sflag:s29], $0x1  }
0x2d: {  	[sflag:s29] =	ssyncadd.s32 $0xFFFFFFFF  }
0x2e: {  	_ =	strace $0x90000048  }
0x2f: {  	_ =	sfence  }
0x30: {  	s30 =	sld [smem:$0x0];
	_ =	sdelay $0x2  }
0x31: {  	s31 =	sshll.u32 s1, $0xD;
	s1 =	sshrl.u32 s1, $0x2  }
0x32: {  	s3 =	sand.u32 $0x4000, s31;
	s1 =	sadd.s32 s1, s30  }
0x33: {  	s0 =	sor.u32 s3, s0;
	s1 =	sshll.u32 s1, $0x11  }
0x34: {  	s0 =	sor.u32 s1, s0  }
0x35: {  	s0 =	sadd.s32 $0x8F2B, s0  }
0x36: {  	[sflag:s0] =	ssyncadd.remote.s32 $0x1  }
0x37: {  	_ =	sfence.sel $0xFFFF  }
0x38: {  	[dreg:$0x0] =	wrdreg $0xFFFFFFFF;
	(pc) =	sbr.abs _section_cstart, $3  }
0x39: {  	[dreg:$0x1] =	wrdreg $0xFFFFFFFF  }
0x3a: {  	_ =	task.clear_ibuf [dreg:s8], $0x2FFFF;
	_ =	strace $0x9FFFFFFF  }
0x3b: {  	(tm) =	ssettm $0x7FFFFFFF  }
tec
execute0_lowered:
.L_overlay_start_1:
0x0: {  	(tag) =	ssettag $0x1  }
0x1: {  	s0 =	srdreg.scid  }
0x2: {  	s1 =	sshll.u32 s0, $0x4  }
0x3: {  	s2 =	rddreg [dreg:$0x0];
	s0 =	stileid.u32;
	s1 =	sand.u32 $0x10, s1  }
0x4: {  	s4 =	rddreg [dreg:$0x1];
	s1 =	sor.u32 s0, s1  }
0x5: {  	s7 =	simm.s32 $0x1;
	s8 =	simm.s32 $0x2;
	s3 =	sshll.u32 s1, $0x1  }
0x6: {  	s9 =	simm.s32 $0x0;
	s12 =	simm.s32 $0x0;
	s6 =	ssub.s32 $0x400, s3  }
.Ltmp0:
0x7: {  	s11 =	simm.s32 $0x0;
	s5 =	sand.u32 $0x3E, s6;
	(pc) =	sbr.rel .LBB1_1-.Ltmp0, $4  }
0x8: {  	s1 =	rddreg [dreg:$0x2];
	_ =	strace $0x80000047;
	p0 =	sne.s32 s5, $0x0  }
0x9: {  	s6 =	sshrl.u32 s6, $0x6;
	s5 =	simm.s32 $0x1;
	s7 =	simm.s32 @!p0 $0x0  }
0xa: {  	s10 =	smov.u32 s3;
	[sflag:s5] =	ssyncpa.u1 $0x0;
	s6 =	sadd.s32 s7, s6  }
0xb: {  	[sflag:s8] =	ssyncpa.u1 $0x0;
	s8 =	simm.s32 $0x0;
	s7 =	sadd.s32 $0x1, s6  }
.LBB1_9:
0xc: {  	s14 =	sadd.s32 $0x40, s10  }
0xd: {  	p1 =	sgt.s32 s14, $0x3FF  }
0xe: {  	s14 =	smov.u32 @p1 s3;
	p1 =	sne.s32 s11, s7  }
.Ltmp1:
0xf: {  	p0 =	slt.u32 s11, $0x2;
	(pc) =	sbr.rel @!p1 .LBB1_10-.Ltmp1, $4  }
0x10: {  	s13 =	simm.s32 @!p0 $0x2  }
0x11: {  	s15 =	sadd.s32 $0x1, s11;
	_ =	swait.ge @!p0 [sflag:s13], $0x4000  }
0x12: {  	s12 =	smov.u32 s10;
	s9 =	sadd.s32 $0x4000, s9;
	[sflag:s13] =	ssyncset.done @!p0 $0x0  }
0x13: {  	s11 =	smov.u32 s15;
	s10 =	smov.u32 s14;
	[sflag:s13] =	ssyncadd.s32 @!p0 $0xFFFFC000  }
.LBB1_1:
0x14: {  	p0 =	sge.u32 s11, s6  }
0x15: {  	s13 =	sxor.u32 @!p0 $0xFFFFFFFF, s11  }
0x16: {  	s31 =	sadd.s32 $0xFFFFFFFF, s11;
	s14 =	sshll.u32 @!p0 s10, $0xA;
	s13 =	sshll.u32 @!p0 s13, $0xE  }
0x17: {  	s15 =	simm.s32 @!p0 $0x0;
	s14 =	sadd.s32 @!p0 s2, s14;
	s13 =	sand.u32 @!p0 $0x4000, s13  }
0x18: {  	[tilespmem:s13], [sflag:$0x1] =	stream.linear.gather @!p0 [hbm4b:s14+s15], $0x4000, $0x38;
	[tilespmem:$0x10000] =	vst v63  }
0x19: {  	p0 =	sge.u32 s31, s6  }
.Ltmp2:
0x1a: {  	_ = 	snop;
	(pc) =	sbr.rel @p0 .LBB1_9-.Ltmp2, $1  }
0x1b: {  	_ =	sdelay $0x3  }
0x1c: {  	s13 =	sshll.u32 s9, $0x2  }
0x1d: {  	_ =	swait.ge [sflag:s5], $0x4000;
	s14 =	sshll.u32 s11, $0xE;
	s16 =	simm.s32 $0x0  }
0x1e: {  	p1 =	por $0x1, $0x1;
	s13 =	sand.u32 $0x10000, s13;
	[sflag:s5] =	ssyncset.done $0x0  }
0x1f: {  	s14 =	sand.u32 $0x4000, s14;
	s15 =	sshrl.u32 s13, $0x2;
	[sflag:s5] =	ssyncadd.s32 $0xFFFFC000  }
0x20: {  	s13 =	sor.u32 $0x8000, s14;
	s14 =	sadd.s32 $0x8040, s15;
	s15 =	sadd.s32 $0x40, s15  }
.LBB1_3:
0x21: {  	s16 =	sshll.u32 s16, $0x2  }
0x22: {  	p0 =	por p1, p1;
	s17 =	sshra.s32 s16, $0x2  }
0x23: {  	s18 =	simm.s32 $0x0;
	s16 =	sadd.s32 s17, s14;
	s17 =	sadd.s32 s17, s15  }
.LBB1_4:
0x24: {  	v0 =	vmov s17;
	_ =	sdelay $0x3  }
0x25: {  	s20 =	simm.s32 $0x0  }
0x26: {  	v6 =	vld.idx.msk [tilespmem:v0+s20+$0x30 ss:$0x1], $0xffff  }
0x27: {  	v7 =	vld.idx.msk [tilespmem:v0+s20+$0xFFFFFFC0 ss:$0x1], $0xffff  }
0x28: {  	v5 =	vld.idx.msk [tilespmem:v0+s20+$0xFFFFFFD0 ss:$0x1], $0xffff  }
0x29: {  	v4 =	vld.idx.msk [tilespmem:v0+s20+$0xFFFFFFE0 ss:$0x1], $0xffff  }
0x2a: {  	v3 =	vld.idx.msk [tilespmem:v0+s20+$0xFFFFFFF0 ss:$0x1], $0xffff  }
0x2b: {  	v1 =	vld.idx.msk [tilespmem:v0+s20+$0x0 ss:$0x1], $0xffff  }
0x2c: {  	v2 =	vld.idx.msk [tilespmem:v0+s20+$0x10 ss:$0x1], $0xffff;
	[tilespmem:s16+$0x30] =	vst v6  }
0x2d: {  	s19 =	simm.s32 $0x80;
	s21 =	simm.s32 $0x400;
	[tilespmem:s16+$0xFFFFFFC0] =	vst v7;
	v6 =	vld.idx.msk [tilespmem:v0+s20+$0x20 ss:$0x1], $0xffff;
	s20 =	smov.u32 s16  }
.LBB1_5:
0x2e: {  	p1 =	sne.s32 s21, $0xE00;
	v7 =	vld.idx.msk [tilespmem:v0+s19+$0x30 ss:$0x1], $0xffff;
	[tilespmem:s20+$0xFFFFFFD0] =	vst v5  }
0x2f: {  	v8 =	vld.idx.msk [tilespmem:v0+s19+$0xFFFFFFC0 ss:$0x1], $0xffff;
	[tilespmem:s20+$0xFFFFFFE0] =	vst v4  }
0x30: {  	v5 =	vld.idx.msk [tilespmem:v0+s19+$0xFFFFFFD0 ss:$0x1], $0xffff;
	[tilespmem:s20+$0xFFFFFFF0] =	vst v3  }
.Ltmp3:
0x31: {  	v4 =	vld.idx.msk [tilespmem:v0+s19+$0xFFFFFFE0 ss:$0x1], $0xffff;
	[tilespmem:s20+$0x0] =	vst v1;
	(pc) =	sbr.rel @p1 .LBB1_5-.Ltmp3, $4  }
0x32: {  	v3 =	vld.idx.msk [tilespmem:v0+s19+$0xFFFFFFF0 ss:$0x1], $0xffff;
	[tilespmem:s20+$0x10] =	vst v2  }
0x33: {  	v1 =	vld.idx.msk [tilespmem:v0+s19+$0x0 ss:$0x1], $0xffff;
	[tilespmem:s20+$0x20] =	vst v6;
	s20 =	sadd.s32 $0x400, s20  }
0x34: {  	v2 =	vld.idx.msk [tilespmem:v0+s19+$0x10 ss:$0x1], $0xffff;
	[tilespmem:s20+$0x30] =	vst v7  }
0x35: {  	[tilespmem:s20+$0xFFFFFFC0] =	vst v8;
	v6 =	vld.idx.msk [tilespmem:v0+s19+$0x20 ss:$0x1], $0xffff;
	s19 =	sshra.s32 s21, $0x2;
	s21 =	sadd.s32 $0x200, s21  }
0x36: {  	_ =	sdelay $0x2  }
0x37: {  	[tilespmem:s20+$0xFFFFFFD0] =	vst v5  }
0x38: {  	v56 =	vld.idx.msk [tilespmem:v0+s19+$0x30 ss:$0x1], $0xffff;
	[tilespmem:s20+$0xFFFFFFE0] =	vst v4  }
0x39: {  	v57 =	vld.idx.msk [tilespmem:v0+s19+$0xFFFFFFC0 ss:$0x1], $0xffff;
	[tilespmem:s20+$0xFFFFFFF0] =	vst v3  }
0x3a: {  	v58 =	vld.idx.msk [tilespmem:v0+s19+$0xFFFFFFD0 ss:$0x1], $0xffff;
	[tilespmem:s20+$0x0] =	vst v1  }
0x3b: {  	v59 =	vld.idx.msk [tilespmem:v0+s19+$0xFFFFFFE0 ss:$0x1], $0xffff;
	[tilespmem:s20+$0x10] =	vst v2  }
0x3c: {  	v60 =	vld.idx.msk [tilespmem:v0+s19+$0xFFFFFFF0 ss:$0x1], $0xffff;
	s31 =	sadd.s32 $0x400, s20;
	[tilespmem:s20+$0x20] =	vst v6  }
0x3d: {  	v61 =	vld.idx.msk [tilespmem:v0+s19+$0x0 ss:$0x1], $0xffff;
	[tilespmem:s31+$0x30] =	vst v56  }
0x3e: {  	v62 =	vld.idx.msk [tilespmem:v0+s19+$0x10 ss:$0x1], $0xffff;
	s18 =	sadd.s32 $0x1, s18;
	[tilespmem:s31+$0xFFFFFFC0] =	vst v57  }
0x3f: {  	v63 =	vld.idx.msk [tilespmem:v0+s19+$0x20 ss:$0x1], $0xffff;
	p1 =	sne.s32 s18, $0x8;
	[tilespmem:s31+$0xFFFFFFD0] =	vst v58  }
.Ltmp4:
0x40: {  	[tilespmem:s31+$0xFFFFFFE0] =	vst v59;
	(pc) =	sbr.rel @p1 .LBB1_4-.Ltmp4, $4  }
0x41: {  	[tilespmem:s31+$0xFFFFFFF0] =	vst v60  }
0x42: {  	[tilespmem:s31+$0x0] =	vst v61  }
0x43: {  	[tilespmem:s31+$0x10] =	vst v62  }
0x44: {  	s16 =	sadd.s32 $0x80, s16;
	s17 =	sadd.s32 $0x400, s17;
	[tilespmem:s31+$0x20] =	vst v63  }
.Ltmp5:
0x45: {  	(pc) =	sbr.rel @p0 .LBB1_3-.Ltmp5, $2  }
0x46: {  	_ =	sdelay $0x2  }
0x47: {  	s16 =	simm.s32 $0x2000;
	p1 =	por $0x0, $0x0  }
.Ltmp6:
0x48: {  	(pc) =	sbr.rel .LBB1_9-.Ltmp6, $4  }
0x49: {  	_ = 	snop  }
0x4a: {  	s12 =	sshll.u32 s12, $0xA  }
0x4b: {  	s12 =	sadd.s32 s4, s12  }
0x4c: {  	[hbm4b:s12+s8] =	stream.linear.scatter [tilespmem:s13], [sflag:$0x2], $0x4000, $0x38;
	[tilespmem:$0x10000] =	vst v63  }
.LBB1_10:
0x4d: {  	_ =	sfence.sel $0x180000  }
0x4e: {  	s2 =	simm.s32 $0x1;
	[bflag:$0x0] =	sbarrier.arrive $0xFFFF  }
0x4f: {  	s31 =	simm.s32 $0x2;
	[sflag:s2] =	ssyncpa.u1 $0x1  }
0x50: {  	[sflag:s31] =	ssyncpa.u1 $0x1  }
0x51: {  	p0 =	sne.s32 s0, $0x0;
	_ =	strace $0x90000047  }
0x52: {  	s0 =	sadd.s32 @!p0 $0x100000, s1;
	[bflag:$0x2] =	sbarrier.arrive $0xFFFF  }
0x53: {  	[sflag:s0] =	ssyncadd.tile.s32 @!p0 $0x1;
	_ =	shalt  }
.Lfunc_end1:
_tile_overlayer_lowered:
.L_overlay_start_2:
0x54: {  	(tag) =	ssettag $0x2  }
0x55: {  	s0 =	rddreg [dreg:$0x0];
	s2 =	stileid.u32  }
0x56: {  	s1 =	rddreg [dreg:$0x1];
	p0 =	sne.s32 s2, $0x0  }
0x57: {  	s3 =	rddreg [dreg:$0x2];
	[bflag:$0x3] =	sbarrier.arrive $0xFFFF;
	s2 =	simm.s32 @!p0 $0x1C01  }
0x58: {  	[timem:s3], [sflag:s2] =	dma.local @!p0 [hbm:s0], s1  }
0x59: {  	s0 =	simm.s32 @!p0 $0x1  }
0x5a: {  	_ =	swait.ge @!p0 [sflag:s0], s1  }
0x5b: {  	s1 =	ssub.s32 @!p0 $0x0, s1;
	[sflag:s0] =	ssyncset.done @!p0 $0x0  }
0x5c: {  	[sflag:s0] =	ssyncadd.s32 @!p0 s1  }
0x5d: {  	[bflag:$0x3] =	sbarrier.arrive $0xFFFF  }
0x5e: {  	_ =	shalt  }

</sc_bundles>
